<compile_context>
chip_gen: v7x
topology: tpu7x:2x2x1
jax: 0.10.2.dev20260603
libtpu: 0.0.44.dev20260713+nightly
codegen_flags: <defaults>
</compile_context>

<pallas_src>
import functools

import jax
import jax.numpy as jnp
from jax import lax
from jax.experimental import pallas as pl
from jax.experimental.pallas import tpu as pltpu
from jax.experimental.pallas import tpu_sc as plsc

_H = 256
_N = 512
_D = 512
_T = 0.6
_EPS = 1e-6
_MARGIN = 1.0
_LAMBDA_C = 0.5
_BIG = 3.4e38

_NW = 32
_RPW = _N // _NW
_L = 16
_CHUNKS = _N // _L


def _dot_t(a, b):
    return jax.lax.dot_general(a, b, (((1,), (1,)), ((), ())),
                               preferred_element_type=jnp.float32)


def _rowsum(a, ones):
    return jax.lax.dot_general(a, ones, (((1,), (0,)), ((), ())),
                               preferred_element_type=jnp.float32)


def _stage1_kernel(img_ref, cap_ref, hard_ref, mb_ref, sim_tl_ref,
                   sim_tr_ref, aux_ref):
    xi = img_ref[...]
    xj = cap_ref[...]
    ones = jnp.full((_D, 1), 1.0, jnp.float32)
    ss_i = _rowsum(xi * xi, ones)
    ss_j = _rowsum(xj * xj, ones)
    sx_i = _rowsum(xi, ones)
    sx_j = _rowsum(xj, ones)
    ri = 1.0 / jnp.maximum(jnp.sqrt(ss_i), 1e-12)
    rj = 1.0 / jnp.maximum(jnp.sqrt(ss_j), 1e-12)
    zi = xi * ri
    zj = xj * rj

    sim_tl = _dot_t(zi, zi)
    sim_tr = _dot_t(zi, zj)
    sim_bb = _dot_t(zj, zj)

    i2 = jax.lax.broadcasted_iota(jnp.int32, (_H, _H), 0)
    j2 = jax.lax.broadcasted_iota(jnp.int32, (_H, _H), 1)
    diag = i2 == j2
    hard_tl = jnp.where(diag, 0.0, sim_tl)
    hard_tr = jnp.where(diag, 0.0, sim_tr)
    hard_bb = jnp.where(diag, 0.0, sim_bb)

    hard_ref[0:_H, 0:_H] = hard_tl
    hard_ref[0:_H, _H:_N] = hard_tr
    hard_ref[_H:_N, 0:_H] = hard_tr.T
    hard_ref[_H:_N, _H:_N] = hard_bb
    sim_tl_ref[...] = sim_tl
    sim_tr_ref[...] = sim_tr

    hard_bl = hard_tr.T
    m_top = jnp.maximum(jnp.max(hard_tl, axis=1, keepdims=True),
                        jnp.max(hard_tr, axis=1, keepdims=True))
    m_bot = jnp.maximum(jnp.max(hard_bl, axis=1, keepdims=True),
                        jnp.max(hard_bb, axis=1, keepdims=True))
    mb_ref[0:_H, :] = jnp.broadcast_to(m_top, (_H, 128))
    mb_ref[_H:_N, :] = jnp.broadcast_to(m_bot, (_H, 128))

    pos_sel = ((j2 == i2 + 128) & (i2 < 128)) | ((j2 == i2 - 128) & (i2 >= 128))
    sum_pos = jnp.sum(jnp.where(pos_sel, sim_tl, 0.0), keepdims=True)
    contrastive = (jnp.sum(m_top, keepdims=True) + jnp.sum(m_bot, keepdims=True)
                   - 2.0 * sum_pos) / (_T * _H)

    sq_i = ss_i * ri * ri
    sq_j = ss_j * rj * rj
    s_i = sx_i * ri
    s_j = sx_j * rj
    a_term = sq_i + 2.0 * _EPS * s_i + (_D * _EPS * _EPS)
    b_l = sq_i - 2.0 * _EPS * s_i
    b_r = sq_j - 2.0 * _EPS * s_j
    dpos = zi - zj + _EPS
    pos_dist = jnp.sqrt(_rowsum(dpos * dpos, ones))

    aux_ref[0:1, :] = a_term.T
    aux_ref[1:2, :] = b_l.T
    aux_ref[2:3, :] = b_r.T
    aux_ref[3:4, :] = pos_dist.T
    aux_ref[4:5, :] = jnp.broadcast_to(contrastive, (1, _H))


def _sc_stage(hard_hbm, mb_hbm, mem_hbm, rows_v, mrow_v, memacc_v, sem):
    c_ax = lax.axis_index("c")
    s_ax = lax.axis_index("s")
    w = s_ax * 2 + c_ax
    base = w * _RPW
    pltpu.sync_copy(hard_hbm.at[pl.ds(base, _RPW)], rows_v)
    pltpu.sync_copy(mb_hbm.at[pl.ds(base, _RPW)], mrow_v)

    for chunk in range(_CHUNKS):
        memacc_v[pl.ds(chunk * _L, _L)] = jnp.zeros((_L,), jnp.int32)

    def row_body(r, _):
        mb = mrow_v[r, pl.ds(0, _L)]
        for chunk in range(_CHUNKS):
            hit = rows_v[r, pl.ds(chunk * _L, _L)] == mb
            sl = pl.ds(chunk * _L, _L)
            memacc_v[sl] = memacc_v[sl] | jnp.where(hit, 1, 0)
        return 0

    lax.fori_loop(0, _RPW, row_body, 0)

    pltpu.sync_copy(memacc_v, mem_hbm.at[pl.ds(w * _N, _N)])


def _sc_call():
    return pl.kernel(
        _sc_stage,
        mesh=plsc.VectorSubcoreMesh(core_axis_name="c", subcore_axis_name="s"),
        out_type=jax.ShapeDtypeStruct((_NW * _N,), jnp.int32),
        scratch_types=[
            pltpu.VMEM((_RPW, _N), jnp.float32),
            pltpu.VMEM((_RPW, 128), jnp.float32),
            pltpu.VMEM((_N,), jnp.int32),
            pltpu.SemaphoreType.DMA,
        ],
    )


def _stage2_kernel(sim_tl_ref, sim_tr_ref, aux_ref, mem_ref, out_ref):
    sim_tl = sim_tl_ref[...]
    sim_tr = sim_tr_ref[...]
    a_term = aux_ref[0:1, :].T
    b_l = aux_ref[1:2, :]
    b_r = aux_ref[2:3, :]
    pos_dist = aux_ref[3:4, :].T
    contrastive = aux_ref[4:5, 0:1]

    mem = mem_ref[...] > 0
    member = jnp.any(mem, axis=0, keepdims=True)
    mem_l = member[:, 0:_H]
    mem_r = member[:, _H:_N]

    d2_l = a_term + b_l - 2.0 * sim_tl
    d2_r = a_term + b_r - 2.0 * sim_tr
    negd2 = jnp.minimum(
        jnp.min(jnp.where(mem_l, d2_l, _BIG), axis=1, keepdims=True),
        jnp.min(jnp.where(mem_r, d2_r, _BIG), axis=1, keepdims=True))
    neg_dist = jnp.sqrt(jnp.maximum(negd2, 0.0))

    triplet = jnp.sum(jnp.maximum(pos_dist - neg_dist + _MARGIN, 0.0),
                      keepdims=True) / _H
    out_ref[...] = triplet + _LAMBDA_C * contrastive


def kernel(img_emb, cap_emb, labels):
    hard, mb, sim_tl, sim_tr, aux = pl.pallas_call(
        _stage1_kernel,
        out_shape=[
            jax.ShapeDtypeStruct((_N, _N), jnp.float32),
            jax.ShapeDtypeStruct((_N, 128), jnp.float32),
            jax.ShapeDtypeStruct((_H, _H), jnp.float32),
            jax.ShapeDtypeStruct((_H, _H), jnp.float32),
            jax.ShapeDtypeStruct((8, _H), jnp.float32),
        ],
    )(img_emb.astype(jnp.float32), cap_emb.astype(jnp.float32))

    mem = _sc_call()(hard, mb)

    out = pl.pallas_call(
        _stage2_kernel,
        out_shape=jax.ShapeDtypeStruct((1, 1), jnp.float32),
    )(sim_tl, sim_tr, aux, mem.reshape(_NW, _N))
    return out[0, 0]

# --- scband reference (transcript-rebuilt; emitter-appended) ---
"""Pipeline reference for scband-transformer-contrastive-loss-14998025797789 (READ-ONLY COPY).

The authoritative reference and input builder live on the scoring server;
editing this copy changes nothing except your own understanding.
"""

import jax, jax.numpy as jnp
import numpy as np

BATCH_SIZE = 128
TEMPERATURE = 0.6
MARGIN = 1.0
NUM_HARD = 1
LAMBDA_C = 0.5
D = 512


def setup_inputs(seed: int = 0) -> dict:
    key = jax.random.key(seed)
    k1, k2, k3 = jax.random.split(key, 3)
    img_emb = jax.random.normal(k1, (2 * BATCH_SIZE, D), dtype=jnp.float32)
    cap_emb = jax.random.normal(k2, (2 * BATCH_SIZE, D), dtype=jnp.float32)
    labels = jax.random.randint(k3, (2 * BATCH_SIZE,), 0, 1000)
    return {"img_emb": img_emb, "cap_emb": cap_emb, "labels": labels}


def _l2_normalize(x, eps=1e-12):
    n = jnp.linalg.norm(x, axis=1, keepdims=True)
    return x / jnp.maximum(n, eps)


def reference(img_emb, cap_emb, labels):
    B = BATCH_SIZE
    z_i = _l2_normalize(img_emb)
    z_j = _l2_normalize(cap_emb)
    reps = jnp.concatenate([z_i, z_j], axis=0)  # [512, D]
    # F.cosine_similarity(reps.unsqueeze(1), reps.unsqueeze(0), dim=2)
    norms = jnp.linalg.norm(reps, axis=1)
    sim = (reps @ reps.T) / jnp.maximum(norms[:, None] * norms[None, :], 1e-8)  # [512,512]
    neg_mask = (~jnp.eye(2 * B, dtype=bool)).astype(jnp.float32)  # [256,256]
    nm = jnp.concatenate([neg_mask, neg_mask], axis=0)
    nm = jnp.concatenate([nm, nm], axis=1)  # [512,512]
    sim_ij = jnp.diagonal(sim, offset=B)[:B]
    sim_ji = jnp.diagonal(sim, offset=-B)[:B]
    positives = jnp.concatenate([sim_ij, sim_ji], axis=0)  # [256]
    nominator = jnp.concatenate([jnp.exp(positives / TEMPERATURE)] * 2, axis=0)  # [512]
    hard_negs = sim * nm
    vals, idx = jax.lax.top_k(hard_negs, NUM_HARD)  # [512,1]
    denominator = jnp.sum(jnp.exp(vals / TEMPERATURE), axis=1)  # [512]
    contrastive = jnp.sum(-jnp.log(nominator / denominator)) / (2 * B)
    hard_neg_emb = jnp.take(reps, idx.reshape(-1), axis=0)  # [512, D]
    z_i_exp = jnp.tile(z_i, (2, 1)).reshape(512, NUM_HARD, z_i.shape[1])
    # torch F.pairwise_distance: ||x1 - x2 + eps||_2 with eps=1e-6
    pos_dist = jnp.linalg.norm(z_i_exp[:, 0, :] - jnp.tile(z_j, (2, 1)) + 1e-6, axis=-1)  # [512]
    diff = z_i_exp - hard_neg_emb[None, :, :]  # broadcast -> [512, 512, D]
    neg_dist = jnp.min(jnp.linalg.norm(diff + 1e-6, axis=-1), axis=1)  # [512]
    triplet = jnp.mean(jnp.maximum(pos_dist - neg_dist + MARGIN, 0.0))
    total = triplet + LAMBDA_C * contrastive
    return total

if __name__ == "__main__":
    import jax
    _d = setup_inputs()
    print(jax.jit(kernel)(*tuple(_d.values())))

</pallas_src>

<mosaic_0001>
#map = affine_map<(d0, d1) -> (0, 0)>
#map1 = affine_map<(d0, d1) -> (0)>
module attributes {stable_mosaic.version = 14 : i64} {
  func.func @_sc_stage(%arg0: i32, %arg1: i32, %arg2: memref<512x512xf32, #tpu.memory_space<hbm>>, %arg3: memref<512x128xf32, #tpu.memory_space<hbm>>, %arg4: memref<16384xi32, #tpu.memory_space<hbm>>, %arg5: memref<16x512xf32, #tpu.memory_space<vmem>>, %arg6: memref<16x128xf32, #tpu.memory_space<vmem>>, %arg7: memref<512xi32, #tpu.memory_space<vmem>>, %arg8: memref<!tpu.dma_semaphore, #tpu.memory_space<semaphore_mem>>) attributes {dimension_semantics = [#tpu.dimension_semantics<core_parallel>, #tpu.dimension_semantics<subcore_parallel>], iteration_bounds = array<i64: 2, 16>, scalar_prefetch = 0 : i64, scratch_operands = 4 : i64, tpu.core_type = #tpu.core_type<sc_vector_subcore>, window_params = [{transform_indices = #map}, {transform_indices = #map}, {transform_indices = #map1}]} {
    %mul3A = arith.constant 2 : i32
    %mul3A_0 = arith.muli %arg1, %mul3A : i32
    %add3A = arith.addi %mul3A_0, %arg0 : i32
    %mul3A_1 = arith.constant 16 : i32
    %mul3A_2 = arith.muli %add3A, %mul3A_1 : i32
    "tpu.region"() ({
      %run_scoped3A = tpu.sem_alloc : memref<!tpu.dma_semaphore, #tpu.memory_space<semaphore_mem>>
      %dma_start3A = arith.constant 0 : i32
      %dma_start3A_201 = tpu.memref_slice %arg2[%mul3A_2, %dma_start3A] : memref<512x512xf32, #tpu.memory_space<hbm>> -> memref<16x512xf32, #tpu.memory_space<hbm>>
      %dma_start3A_202 = arith.constant 0 : i32
      %dma_start3A_203 = tpu.memref_slice %arg2[%mul3A_2, %dma_start3A_202] : memref<512x512xf32, #tpu.memory_space<hbm>> -> memref<16x512xf32, #tpu.memory_space<hbm>>
      tpu.enqueue_dma source(%dma_start3A_203 : memref<16x512xf32, #tpu.memory_space<hbm>>) target(%arg5 : memref<16x512xf32, #tpu.memory_space<vmem>>) target_semaphore(%run_scoped3A : memref<!tpu.dma_semaphore, #tpu.memory_space<semaphore_mem>>)
      %dma_wait3A = arith.constant 0 : i32
      %dma_wait3A_204 = tpu.memref_slice %arg2[%mul3A_2, %dma_wait3A] : memref<512x512xf32, #tpu.memory_space<hbm>> -> memref<16x512xf32, #tpu.memory_space<hbm>>
      %dma_wait3A_205 = arith.constant 0 : i32
      %dma_wait3A_206 = tpu.memref_slice %arg2[%mul3A_2, %dma_wait3A_205] : memref<512x512xf32, #tpu.memory_space<hbm>> -> memref<16x512xf32, #tpu.memory_space<hbm>>
      tpu.wait_dma2 semaphore(%run_scoped3A : memref<!tpu.dma_semaphore, #tpu.memory_space<semaphore_mem>>) src(%dma_wait3A_206 : memref<16x512xf32, #tpu.memory_space<hbm>>) dst(%arg5 : memref<16x512xf32, #tpu.memory_space<vmem>>)
      tpu.yield
    }) : () -> ()
    "tpu.region"() ({
      %run_scoped3A = tpu.sem_alloc : memref<!tpu.dma_semaphore, #tpu.memory_space<semaphore_mem>>
      %dma_start3A = arith.constant 0 : i32
      %dma_start3A_201 = tpu.memref_slice %arg3[%mul3A_2, %dma_start3A] : memref<512x128xf32, #tpu.memory_space<hbm>> -> memref<16x128xf32, #tpu.memory_space<hbm>>
      %dma_start3A_202 = arith.constant 0 : i32
      %dma_start3A_203 = tpu.memref_slice %arg3[%mul3A_2, %dma_start3A_202] : memref<512x128xf32, #tpu.memory_space<hbm>> -> memref<16x128xf32, #tpu.memory_space<hbm>>
      tpu.enqueue_dma source(%dma_start3A_203 : memref<16x128xf32, #tpu.memory_space<hbm>>) target(%arg6 : memref<16x128xf32, #tpu.memory_space<vmem>>) target_semaphore(%run_scoped3A : memref<!tpu.dma_semaphore, #tpu.memory_space<semaphore_mem>>)
      %dma_wait3A = arith.constant 0 : i32
      %dma_wait3A_204 = tpu.memref_slice %arg3[%mul3A_2, %dma_wait3A] : memref<512x128xf32, #tpu.memory_space<hbm>> -> memref<16x128xf32, #tpu.memory_space<hbm>>
      %dma_wait3A_205 = arith.constant 0 : i32
      %dma_wait3A_206 = tpu.memref_slice %arg3[%mul3A_2, %dma_wait3A_205] : memref<512x128xf32, #tpu.memory_space<hbm>> -> memref<16x128xf32, #tpu.memory_space<hbm>>
      tpu.wait_dma2 semaphore(%run_scoped3A : memref<!tpu.dma_semaphore, #tpu.memory_space<semaphore_mem>>) src(%dma_wait3A_206 : memref<16x128xf32, #tpu.memory_space<hbm>>) dst(%arg6 : memref<16x128xf32, #tpu.memory_space<vmem>>)
      tpu.yield
    }) : () -> ()
    %broadcast_in_dim3A = arith.constant 0 : i32
    %broadcast_in_dim3A_3 = vector.broadcast %broadcast_in_dim3A : i32 to vector<16xi32>
    %swap3A = arith.constant 0 : index
    %swap3A_4 = tpu.vector_load %arg7[%swap3A] {strides = array<i32>} : memref<512xi32, #tpu.memory_space<vmem>>, vector<16xi32>,
    %swap3A_5 = vector.shape_cast %swap3A_4 : vector<16xi32> to vector<16xi32>
    %swap3A_6 = vector.shape_cast %broadcast_in_dim3A_3 : vector<16xi32> to vector<16xi32>
    tpu.vector_store %arg7[%swap3A], %swap3A_6 {strides = array<i32>} : memref<512xi32, #tpu.memory_space<vmem>>, vector<16xi32>,
    %broadcast_in_dim3A_7 = arith.constant 0 : i32
    %broadcast_in_dim3A_8 = vector.broadcast %broadcast_in_dim3A_7 : i32 to vector<16xi32>
    %swap3A_9 = arith.constant 16 : index
    %swap3A_10 = tpu.vector_load %arg7[%swap3A_9] {strides = array<i32>} : memref<512xi32, #tpu.memory_space<vmem>>, vector<16xi32>,
    %swap3A_11 = vector.shape_cast %swap3A_10 : vector<16xi32> to vector<16xi32>
    %swap3A_12 = vector.shape_cast %broadcast_in_dim3A_8 : vector<16xi32> to vector<16xi32>
    tpu.vector_store %arg7[%swap3A_9], %swap3A_12 {strides = array<i32>} : memref<512xi32, #tpu.memory_space<vmem>>, vector<16xi32>,
    %broadcast_in_dim3A_13 = arith.constant 0 : i32
    %broadcast_in_dim3A_14 = vector.broadcast %broadcast_in_dim3A_13 : i32 to vector<16xi32>
    %swap3A_15 = arith.constant 32 : index
    %swap3A_16 = tpu.vector_load %arg7[%swap3A_15] {strides = array<i32>} : memref<512xi32, #tpu.memory_space<vmem>>, vector<16xi32>,
    %swap3A_17 = vector.shape_cast %swap3A_16 : vector<16xi32> to vector<16xi32>
    %swap3A_18 = vector.shape_cast %broadcast_in_dim3A_14 : vector<16xi32> to vector<16xi32>
    tpu.vector_store %arg7[%swap3A_15], %swap3A_18 {strides = array<i32>} : memref<512xi32, #tpu.memory_space<vmem>>, vector<16xi32>,
    %broadcast_in_dim3A_19 = arith.constant 0 : i32
    %broadcast_in_dim3A_20 = vector.broadcast %broadcast_in_dim3A_19 : i32 to vector<16xi32>
    %swap3A_21 = arith.constant 48 : index
    %swap3A_22 = tpu.vector_load %arg7[%swap3A_21] {strides = array<i32>} : memref<512xi32, #tpu.memory_space<vmem>>, vector<16xi32>,
    %swap3A_23 = vector.shape_cast %swap3A_22 : vector<16xi32> to vector<16xi32>
    %swap3A_24 = vector.shape_cast %broadcast_in_dim3A_20 : vector<16xi32> to vector<16xi32>
    tpu.vector_store %arg7[%swap3A_21], %swap3A_24 {strides = array<i32>} : memref<512xi32, #tpu.memory_space<vmem>>, vector<16xi32>,
    %broadcast_in_dim3A_25 = arith.constant 0 : i32
    %broadcast_in_dim3A_26 = vector.broadcast %broadcast_in_dim3A_25 : i32 to vector<16xi32>
    %swap3A_27 = arith.constant 64 : index
    %swap3A_28 = tpu.vector_load %arg7[%swap3A_27] {strides = array<i32>} : memref<512xi32, #tpu.memory_space<vmem>>, vector<16xi32>,
    %swap3A_29 = vector.shape_cast %swap3A_28 : vector<16xi32> to vector<16xi32>
    %swap3A_30 = vector.shape_cast %broadcast_in_dim3A_26 : vector<16xi32> to vector<16xi32>
    tpu.vector_store %arg7[%swap3A_27], %swap3A_30 {strides = array<i32>} : memref<512xi32, #tpu.memory_space<vmem>>, vector<16xi32>,
    %broadcast_in_dim3A_31 = arith.constant 0 : i32
    %broadcast_in_dim3A_32 = vector.broadcast %broadcast_in_dim3A_31 : i32 to vector<16xi32>
    %swap3A_33 = arith.constant 80 : index
    %swap3A_34 = tpu.vector_load %arg7[%swap3A_33] {strides = array<i32>} : memref<512xi32, #tpu.memory_space<vmem>>, vector<16xi32>,
    %swap3A_35 = vector.shape_cast %swap3A_34 : vector<16xi32> to vector<16xi32>
    %swap3A_36 = vector.shape_cast %broadcast_in_dim3A_32 : vector<16xi32> to vector<16xi32>
    tpu.vector_store %arg7[%swap3A_33], %swap3A_36 {strides = array<i32>} : memref<512xi32, #tpu.memory_space<vmem>>, vector<16xi32>,
    %broadcast_in_dim3A_37 = arith.constant 0 : i32
    %broadcast_in_dim3A_38 = vector.broadcast %broadcast_in_dim3A_37 : i32 to vector<16xi32>
    %swap3A_39 = arith.constant 96 : index
    %swap3A_40 = tpu.vector_load %arg7[%swap3A_39] {strides = array<i32>} : memref<512xi32, #tpu.memory_space<vmem>>, vector<16xi32>,
    %swap3A_41 = vector.shape_cast %swap3A_40 : vector<16xi32> to vector<16xi32>
    %swap3A_42 = vector.shape_cast %broadcast_in_dim3A_38 : vector<16xi32> to vector<16xi32>
    tpu.vector_store %arg7[%swap3A_39], %swap3A_42 {strides = array<i32>} : memref<512xi32, #tpu.memory_space<vmem>>, vector<16xi32>,
    %broadcast_in_dim3A_43 = arith.constant 0 : i32
    %broadcast_in_dim3A_44 = vector.broadcast %broadcast_in_dim3A_43 : i32 to vector<16xi32>
    %swap3A_45 = arith.constant 112 : index
    %swap3A_46 = tpu.vector_load %arg7[%swap3A_45] {strides = array<i32>} : memref<512xi32, #tpu.memory_space<vmem>>, vector<16xi32>,
    %swap3A_47 = vector.shape_cast %swap3A_46 : vector<16xi32> to vector<16xi32>
    %swap3A_48 = vector.shape_cast %broadcast_in_dim3A_44 : vector<16xi32> to vector<16xi32>
    tpu.vector_store %arg7[%swap3A_45], %swap3A_48 {strides = array<i32>} : memref<512xi32, #tpu.memory_space<vmem>>, vector<16xi32>,
    %broadcast_in_dim3A_49 = arith.constant 0 : i32
    %broadcast_in_dim3A_50 = vector.broadcast %broadcast_in_dim3A_49 : i32 to vector<16xi32>
    %swap3A_51 = arith.constant 128 : index
    %swap3A_52 = tpu.vector_load %arg7[%swap3A_51] {strides = array<i32>} : memref<512xi32, #tpu.memory_space<vmem>>, vector<16xi32>,
    %swap3A_53 = vector.shape_cast %swap3A_52 : vector<16xi32> to vector<16xi32>
    %swap3A_54 = vector.shape_cast %broadcast_in_dim3A_50 : vector<16xi32> to vector<16xi32>
    tpu.vector_store %arg7[%swap3A_51], %swap3A_54 {strides = array<i32>} : memref<512xi32, #tpu.memory_space<vmem>>, vector<16xi32>,
    %broadcast_in_dim3A_55 = arith.constant 0 : i32
    %broadcast_in_dim3A_56 = vector.broadcast %broadcast_in_dim3A_55 : i32 to vector<16xi32>
    %swap3A_57 = arith.constant 144 : index
    %swap3A_58 = tpu.vector_load %arg7[%swap3A_57] {strides = array<i32>} : memref<512xi32, #tpu.memory_space<vmem>>, vector<16xi32>,
    %swap3A_59 = vector.shape_cast %swap3A_58 : vector<16xi32> to vector<16xi32>
    %swap3A_60 = vector.shape_cast %broadcast_in_dim3A_56 : vector<16xi32> to vector<16xi32>
    tpu.vector_store %arg7[%swap3A_57], %swap3A_60 {strides = array<i32>} : memref<512xi32, #tpu.memory_space<vmem>>, vector<16xi32>,
    %broadcast_in_dim3A_61 = arith.constant 0 : i32
    %broadcast_in_dim3A_62 = vector.broadcast %broadcast_in_dim3A_61 : i32 to vector<16xi32>
    %swap3A_63 = arith.constant 160 : index
    %swap3A_64 = tpu.vector_load %arg7[%swap3A_63] {strides = array<i32>} : memref<512xi32, #tpu.memory_space<vmem>>, vector<16xi32>,
    %swap3A_65 = vector.shape_cast %swap3A_64 : vector<16xi32> to vector<16xi32>
    %swap3A_66 = vector.shape_cast %broadcast_in_dim3A_62 : vector<16xi32> to vector<16xi32>
    tpu.vector_store %arg7[%swap3A_63], %swap3A_66 {strides = array<i32>} : memref<512xi32, #tpu.memory_space<vmem>>, vector<16xi32>,
    %broadcast_in_dim3A_67 = arith.constant 0 : i32
    %broadcast_in_dim3A_68 = vector.broadcast %broadcast_in_dim3A_67 : i32 to vector<16xi32>
    %swap3A_69 = arith.constant 176 : index
    %swap3A_70 = tpu.vector_load %arg7[%swap3A_69] {strides = array<i32>} : memref<512xi32, #tpu.memory_space<vmem>>, vector<16xi32>,
    %swap3A_71 = vector.shape_cast %swap3A_70 : vector<16xi32> to vector<16xi32>
    %swap3A_72 = vector.shape_cast %broadcast_in_dim3A_68 : vector<16xi32> to vector<16xi32>
    tpu.vector_store %arg7[%swap3A_69], %swap3A_72 {strides = array<i32>} : memref<512xi32, #tpu.memory_space<vmem>>, vector<16xi32>,
    %broadcast_in_dim3A_73 = arith.constant 0 : i32
    %broadcast_in_dim3A_74 = vector.broadcast %broadcast_in_dim3A_73 : i32 to vector<16xi32>
    %swap3A_75 = arith.constant 192 : index
    %swap3A_76 = tpu.vector_load %arg7[%swap3A_75] {strides = array<i32>} : memref<512xi32, #tpu.memory_space<vmem>>, vector<16xi32>,
    %swap3A_77 = vector.shape_cast %swap3A_76 : vector<16xi32> to vector<16xi32>
    %swap3A_78 = vector.shape_cast %broadcast_in_dim3A_74 : vector<16xi32> to vector<16xi32>
    tpu.vector_store %arg7[%swap3A_75], %swap3A_78 {strides = array<i32>} : memref<512xi32, #tpu.memory_space<vmem>>, vector<16xi32>,
    %broadcast_in_dim3A_79 = arith.constant 0 : i32
    %broadcast_in_dim3A_80 = vector.broadcast %broadcast_in_dim3A_79 : i32 to vector<16xi32>
    %swap3A_81 = arith.constant 208 : index
    %swap3A_82 = tpu.vector_load %arg7[%swap3A_81] {strides = array<i32>} : memref<512xi32, #tpu.memory_space<vmem>>, vector<16xi32>,
    %swap3A_83 = vector.shape_cast %swap3A_82 : vector<16xi32> to vector<16xi32>
    %swap3A_84 = vector.shape_cast %broadcast_in_dim3A_80 : vector<16xi32> to vector<16xi32>
    tpu.vector_store %arg7[%swap3A_81], %swap3A_84 {strides = array<i32>} : memref<512xi32, #tpu.memory_space<vmem>>, vector<16xi32>,
    %broadcast_in_dim3A_85 = arith.constant 0 : i32
    %broadcast_in_dim3A_86 = vector.broadcast %broadcast_in_dim3A_85 : i32 to vector<16xi32>
    %swap3A_87 = arith.constant 224 : index
    %swap3A_88 = tpu.vector_load %arg7[%swap3A_87] {strides = array<i32>} : memref<512xi32, #tpu.memory_space<vmem>>, vector<16xi32>,
    %swap3A_89 = vector.shape_cast %swap3A_88 : vector<16xi32> to vector<16xi32>
    %swap3A_90 = vector.shape_cast %broadcast_in_dim3A_86 : vector<16xi32> to vector<16xi32>
    tpu.vector_store %arg7[%swap3A_87], %swap3A_90 {strides = array<i32>} : memref<512xi32, #tpu.memory_space<vmem>>, vector<16xi32>,
    %broadcast_in_dim3A_91 = arith.constant 0 : i32
    %broadcast_in_dim3A_92 = vector.broadcast %broadcast_in_dim3A_91 : i32 to vector<16xi32>
    %swap3A_93 = arith.constant 240 : index
    %swap3A_94 = tpu.vector_load %arg7[%swap3A_93] {strides = array<i32>} : memref<512xi32, #tpu.memory_space<vmem>>, vector<16xi32>,
    %swap3A_95 = vector.shape_cast %swap3A_94 : vector<16xi32> to vector<16xi32>
    %swap3A_96 = vector.shape_cast %broadcast_in_dim3A_92 : vector<16xi32> to vector<16xi32>
    tpu.vector_store %arg7[%swap3A_93], %swap3A_96 {strides = array<i32>} : memref<512xi32, #tpu.memory_space<vmem>>, vector<16xi32>,
    %broadcast_in_dim3A_97 = arith.constant 0 : i32
    %broadcast_in_dim3A_98 = vector.broadcast %broadcast_in_dim3A_97 : i32 to vector<16xi32>
    %swap3A_99 = arith.constant 256 : index
    %swap3A_100 = tpu.vector_load %arg7[%swap3A_99] {strides = array<i32>} : memref<512xi32, #tpu.memory_space<vmem>>, vector<16xi32>,
    %swap3A_101 = vector.shape_cast %swap3A_100 : vector<16xi32> to vector<16xi32>
    %swap3A_102 = vector.shape_cast %broadcast_in_dim3A_98 : vector<16xi32> to vector<16xi32>
    tpu.vector_store %arg7[%swap3A_99], %swap3A_102 {strides = array<i32>} : memref<512xi32, #tpu.memory_space<vmem>>, vector<16xi32>,
    %broadcast_in_dim3A_103 = arith.constant 0 : i32
    %broadcast_in_dim3A_104 = vector.broadcast %broadcast_in_dim3A_103 : i32 to vector<16xi32>
    %swap3A_105 = arith.constant 272 : index
    %swap3A_106 = tpu.vector_load %arg7[%swap3A_105] {strides = array<i32>} : memref<512xi32, #tpu.memory_space<vmem>>, vector<16xi32>,
    %swap3A_107 = vector.shape_cast %swap3A_106 : vector<16xi32> to vector<16xi32>
    %swap3A_108 = vector.shape_cast %broadcast_in_dim3A_104 : vector<16xi32> to vector<16xi32>
    tpu.vector_store %arg7[%swap3A_105], %swap3A_108 {strides = array<i32>} : memref<512xi32, #tpu.memory_space<vmem>>, vector<16xi32>,
    %broadcast_in_dim3A_109 = arith.constant 0 : i32
    %broadcast_in_dim3A_110 = vector.broadcast %broadcast_in_dim3A_109 : i32 to vector<16xi32>
    %swap3A_111 = arith.constant 288 : index
    %swap3A_112 = tpu.vector_load %arg7[%swap3A_111] {strides = array<i32>} : memref<512xi32, #tpu.memory_space<vmem>>, vector<16xi32>,
    %swap3A_113 = vector.shape_cast %swap3A_112 : vector<16xi32> to vector<16xi32>
    %swap3A_114 = vector.shape_cast %broadcast_in_dim3A_110 : vector<16xi32> to vector<16xi32>
    tpu.vector_store %arg7[%swap3A_111], %swap3A_114 {strides = array<i32>} : memref<512xi32, #tpu.memory_space<vmem>>, vector<16xi32>,
    %broadcast_in_dim3A_115 = arith.constant 0 : i32
    %broadcast_in_dim3A_116 = vector.broadcast %broadcast_in_dim3A_115 : i32 to vector<16xi32>
    %swap3A_117 = arith.constant 304 : index
    %swap3A_118 = tpu.vector_load %arg7[%swap3A_117] {strides = array<i32>} : memref<512xi32, #tpu.memory_space<vmem>>, vector<16xi32>,
    %swap3A_119 = vector.shape_cast %swap3A_118 : vector<16xi32> to vector<16xi32>
    %swap3A_120 = vector.shape_cast %broadcast_in_dim3A_116 : vector<16xi32> to vector<16xi32>
    tpu.vector_store %arg7[%swap3A_117], %swap3A_120 {strides = array<i32>} : memref<512xi32, #tpu.memory_space<vmem>>, vector<16xi32>,
    %broadcast_in_dim3A_121 = arith.constant 0 : i32
    %broadcast_in_dim3A_122 = vector.broadcast %broadcast_in_dim3A_121 : i32 to vector<16xi32>
    %swap3A_123 = arith.constant 320 : index
    %swap3A_124 = tpu.vector_load %arg7[%swap3A_123] {strides = array<i32>} : memref<512xi32, #tpu.memory_space<vmem>>, vector<16xi32>,
    %swap3A_125 = vector.shape_cast %swap3A_124 : vector<16xi32> to vector<16xi32>
    %swap3A_126 = vector.shape_cast %broadcast_in_dim3A_122 : vector<16xi32> to vector<16xi32>
    tpu.vector_store %arg7[%swap3A_123], %swap3A_126 {strides = array<i32>} : memref<512xi32, #tpu.memory_space<vmem>>, vector<16xi32>,
    %broadcast_in_dim3A_127 = arith.constant 0 : i32
    %broadcast_in_dim3A_128 = vector.broadcast %broadcast_in_dim3A_127 : i32 to vector<16xi32>
    %swap3A_129 = arith.constant 336 : index
    %swap3A_130 = tpu.vector_load %arg7[%swap3A_129] {strides = array<i32>} : memref<512xi32, #tpu.memory_space<vmem>>, vector<16xi32>,
    %swap3A_131 = vector.shape_cast %swap3A_130 : vector<16xi32> to vector<16xi32>
    %swap3A_132 = vector.shape_cast %broadcast_in_dim3A_128 : vector<16xi32> to vector<16xi32>
    tpu.vector_store %arg7[%swap3A_129], %swap3A_132 {strides = array<i32>} : memref<512xi32, #tpu.memory_space<vmem>>, vector<16xi32>,
    %broadcast_in_dim3A_133 = arith.constant 0 : i32
    %broadcast_in_dim3A_134 = vector.broadcast %broadcast_in_dim3A_133 : i32 to vector<16xi32>
    %swap3A_135 = arith.constant 352 : index
    %swap3A_136 = tpu.vector_load %arg7[%swap3A_135] {strides = array<i32>} : memref<512xi32, #tpu.memory_space<vmem>>, vector<16xi32>,
    %swap3A_137 = vector.shape_cast %swap3A_136 : vector<16xi32> to vector<16xi32>
    %swap3A_138 = vector.shape_cast %broadcast_in_dim3A_134 : vector<16xi32> to vector<16xi32>
    tpu.vector_store %arg7[%swap3A_135], %swap3A_138 {strides = array<i32>} : memref<512xi32, #tpu.memory_space<vmem>>, vector<16xi32>,
    %broadcast_in_dim3A_139 = arith.constant 0 : i32
    %broadcast_in_dim3A_140 = vector.broadcast %broadcast_in_dim3A_139 : i32 to vector<16xi32>
    %swap3A_141 = arith.constant 368 : index
    %swap3A_142 = tpu.vector_load %arg7[%swap3A_141] {strides = array<i32>} : memref<512xi32, #tpu.memory_space<vmem>>, vector<16xi32>,
    %swap3A_143 = vector.shape_cast %swap3A_142 : vector<16xi32> to vector<16xi32>
    %swap3A_144 = vector.shape_cast %broadcast_in_dim3A_140 : vector<16xi32> to vector<16xi32>
    tpu.vector_store %arg7[%swap3A_141], %swap3A_144 {strides = array<i32>} : memref<512xi32, #tpu.memory_space<vmem>>, vector<16xi32>,
    %broadcast_in_dim3A_145 = arith.constant 0 : i32
    %broadcast_in_dim3A_146 = vector.broadcast %broadcast_in_dim3A_145 : i32 to vector<16xi32>
    %swap3A_147 = arith.constant 384 : index
    %swap3A_148 = tpu.vector_load %arg7[%swap3A_147] {strides = array<i32>} : memref<512xi32, #tpu.memory_space<vmem>>, vector<16xi32>,
    %swap3A_149 = vector.shape_cast %swap3A_148 : vector<16xi32> to vector<16xi32>
    %swap3A_150 = vector.shape_cast %broadcast_in_dim3A_146 : vector<16xi32> to vector<16xi32>
    tpu.vector_store %arg7[%swap3A_147], %swap3A_150 {strides = array<i32>} : memref<512xi32, #tpu.memory_space<vmem>>, vector<16xi32>,
    %broadcast_in_dim3A_151 = arith.constant 0 : i32
    %broadcast_in_dim3A_152 = vector.broadcast %broadcast_in_dim3A_151 : i32 to vector<16xi32>
    %swap3A_153 = arith.constant 400 : index
    %swap3A_154 = tpu.vector_load %arg7[%swap3A_153] {strides = array<i32>} : memref<512xi32, #tpu.memory_space<vmem>>, vector<16xi32>,
    %swap3A_155 = vector.shape_cast %swap3A_154 : vector<16xi32> to vector<16xi32>
    %swap3A_156 = vector.shape_cast %broadcast_in_dim3A_152 : vector<16xi32> to vector<16xi32>
    tpu.vector_store %arg7[%swap3A_153], %swap3A_156 {strides = array<i32>} : memref<512xi32, #tpu.memory_space<vmem>>, vector<16xi32>,
    %broadcast_in_dim3A_157 = arith.constant 0 : i32
    %broadcast_in_dim3A_158 = vector.broadcast %broadcast_in_dim3A_157 : i32 to vector<16xi32>
    %swap3A_159 = arith.constant 416 : index
    %swap3A_160 = tpu.vector_load %arg7[%swap3A_159] {strides = array<i32>} : memref<512xi32, #tpu.memory_space<vmem>>, vector<16xi32>,
    %swap3A_161 = vector.shape_cast %swap3A_160 : vector<16xi32> to vector<16xi32>
    %swap3A_162 = vector.shape_cast %broadcast_in_dim3A_158 : vector<16xi32> to vector<16xi32>
    tpu.vector_store %arg7[%swap3A_159], %swap3A_162 {strides = array<i32>} : memref<512xi32, #tpu.memory_space<vmem>>, vector<16xi32>,
    %broadcast_in_dim3A_163 = arith.constant 0 : i32
    %broadcast_in_dim3A_164 = vector.broadcast %broadcast_in_dim3A_163 : i32 to vector<16xi32>
    %swap3A_165 = arith.constant 432 : index
    %swap3A_166 = tpu.vector_load %arg7[%swap3A_165] {strides = array<i32>} : memref<512xi32, #tpu.memory_space<vmem>>, vector<16xi32>,
    %swap3A_167 = vector.shape_cast %swap3A_166 : vector<16xi32> to vector<16xi32>
    %swap3A_168 = vector.shape_cast %broadcast_in_dim3A_164 : vector<16xi32> to vector<16xi32>
    tpu.vector_store %arg7[%swap3A_165], %swap3A_168 {strides = array<i32>} : memref<512xi32, #tpu.memory_space<vmem>>, vector<16xi32>,
    %broadcast_in_dim3A_169 = arith.constant 0 : i32
    %broadcast_in_dim3A_170 = vector.broadcast %broadcast_in_dim3A_169 : i32 to vector<16xi32>
    %swap3A_171 = arith.constant 448 : index
    %swap3A_172 = tpu.vector_load %arg7[%swap3A_171] {strides = array<i32>} : memref<512xi32, #tpu.memory_space<vmem>>, vector<16xi32>,
    %swap3A_173 = vector.shape_cast %swap3A_172 : vector<16xi32> to vector<16xi32>
    %swap3A_174 = vector.shape_cast %broadcast_in_dim3A_170 : vector<16xi32> to vector<16xi32>
    tpu.vector_store %arg7[%swap3A_171], %swap3A_174 {strides = array<i32>} : memref<512xi32, #tpu.memory_space<vmem>>, vector<16xi32>,
    %broadcast_in_dim3A_175 = arith.constant 0 : i32
    %broadcast_in_dim3A_176 = vector.broadcast %broadcast_in_dim3A_175 : i32 to vector<16xi32>
    %swap3A_177 = arith.constant 464 : index
    %swap3A_178 = tpu.vector_load %arg7[%swap3A_177] {strides = array<i32>} : memref<512xi32, #tpu.memory_space<vmem>>, vector<16xi32>,
    %swap3A_179 = vector.shape_cast %swap3A_178 : vector<16xi32> to vector<16xi32>
    %swap3A_180 = vector.shape_cast %broadcast_in_dim3A_176 : vector<16xi32> to vector<16xi32>
    tpu.vector_store %arg7[%swap3A_177], %swap3A_180 {strides = array<i32>} : memref<512xi32, #tpu.memory_space<vmem>>, vector<16xi32>,
    %broadcast_in_dim3A_181 = arith.constant 0 : i32
    %broadcast_in_dim3A_182 = vector.broadcast %broadcast_in_dim3A_181 : i32 to vector<16xi32>
    %swap3A_183 = arith.constant 480 : index
    %swap3A_184 = tpu.vector_load %arg7[%swap3A_183] {strides = array<i32>} : memref<512xi32, #tpu.memory_space<vmem>>, vector<16xi32>,
    %swap3A_185 = vector.shape_cast %swap3A_184 : vector<16xi32> to vector<16xi32>
    %swap3A_186 = vector.shape_cast %broadcast_in_dim3A_182 : vector<16xi32> to vector<16xi32>
    tpu.vector_store %arg7[%swap3A_183], %swap3A_186 {strides = array<i32>} : memref<512xi32, #tpu.memory_space<vmem>>, vector<16xi32>,
    %broadcast_in_dim3A_187 = arith.constant 0 : i32
    %broadcast_in_dim3A_188 = vector.broadcast %broadcast_in_dim3A_187 : i32 to vector<16xi32>
    %swap3A_189 = arith.constant 496 : index
    %swap3A_190 = tpu.vector_load %arg7[%swap3A_189] {strides = array<i32>} : memref<512xi32, #tpu.memory_space<vmem>>, vector<16xi32>,
    %swap3A_191 = vector.shape_cast %swap3A_190 : vector<16xi32> to vector<16xi32>
    %swap3A_192 = vector.shape_cast %broadcast_in_dim3A_188 : vector<16xi32> to vector<16xi32>
    tpu.vector_store %arg7[%swap3A_189], %swap3A_192 {strides = array<i32>} : memref<512xi32, #tpu.memory_space<vmem>>, vector<16xi32>,
    %scan3A = arith.constant 0 : i32
    %scan3A_193 = arith.constant 0 : i32
    %scan3A_194 = arith.constant 16 : i32
    %scan3A_195 = arith.addi %scan3A_193, %scan3A_194 : i32
    %scan3A_196 = arith.constant 1 : i32
    %scan3A_197 = scf.for %scan3A_201 = %scan3A_193 to %scan3A_195 step %scan3A_196 iter_args(%scan3A_202 = %scan3A) -> (i32)  : i32 {
      %get3A = arith.index_cast %scan3A_201 : i32 to index
      %get3A_203 = arith.constant 0 : index
      %get3A_204 = tpu.vector_load %arg6[%get3A, %get3A_203] {strides = array<i32>} : memref<16x128xf32, #tpu.memory_space<vmem>>, vector<1x16xf32>,
      %get3A_205 = vector.shape_cast %get3A_204 : vector<1x16xf32> to vector<16xf32>
      %get3A_206 = arith.index_cast %scan3A_201 : i32 to index
      %get3A_207 = arith.constant 0 : index
      %get3A_208 = tpu.vector_load %arg5[%get3A_206, %get3A_207] {strides = array<i32>} : memref<16x512xf32, #tpu.memory_space<vmem>>, vector<1x16xf32>,
      %get3A_209 = vector.shape_cast %get3A_208 : vector<1x16xf32> to vector<16xf32>
      %eq3A = arith.cmpf oeq, %get3A_209, %get3A_205 : vector<16xf32>
      %get3A_210 = arith.constant 0 : index
      %get3A_211 = tpu.vector_load %arg7[%get3A_210] {strides = array<i32>} : memref<512xi32, #tpu.memory_space<vmem>>, vector<16xi32>,
      %get3A_212 = vector.shape_cast %get3A_211 : vector<16xi32> to vector<16xi32>
      %jit3A = arith.constant 1 : i32
      %jit3A_213 = arith.constant 0 : i32
      %broadcast_in_dim3A_214 = vector.broadcast %jit3A : i32 to vector<16xi32>
      %broadcast_in_dim3A_215 = vector.broadcast %jit3A_213 : i32 to vector<16xi32>
      %select_n3A = arith.select %eq3A, %broadcast_in_dim3A_214, %broadcast_in_dim3A_215 : vector<16xi1>, vector<16xi32>
      %or3A = arith.ori %get3A_212, %select_n3A : vector<16xi32>
      %swap3A_216 = arith.constant 0 : index
      %swap3A_217 = tpu.vector_load %arg7[%swap3A_216] {strides = array<i32>} : memref<512xi32, #tpu.memory_space<vmem>>, vector<16xi32>,
      %swap3A_218 = vector.shape_cast %swap3A_217 : vector<16xi32> to vector<16xi32>
      %swap3A_219 = vector.shape_cast %or3A : vector<16xi32> to vector<16xi32>
      tpu.vector_store %arg7[%swap3A_216], %swap3A_219 {strides = array<i32>} : memref<512xi32, #tpu.memory_space<vmem>>, vector<16xi32>,
      %get3A_220 = arith.index_cast %scan3A_201 : i32 to index
      %get3A_221 = arith.constant 16 : index
      %get3A_222 = tpu.vector_load %arg5[%get3A_220, %get3A_221] {strides = array<i32>} : memref<16x512xf32, #tpu.memory_space<vmem>>, vector<1x16xf32>,
      %get3A_223 = vector.shape_cast %get3A_222 : vector<1x16xf32> to vector<16xf32>
      %eq3A_224 = arith.cmpf oeq, %get3A_223, %get3A_205 : vector<16xf32>
      %get3A_225 = arith.constant 16 : index
      %get3A_226 = tpu.vector_load %arg7[%get3A_225] {strides = array<i32>} : memref<512xi32, #tpu.memory_space<vmem>>, vector<16xi32>,
      %get3A_227 = vector.shape_cast %get3A_226 : vector<16xi32> to vector<16xi32>
      %jit3A_228 = arith.constant 1 : i32
      %jit3A_229 = arith.constant 0 : i32
      %broadcast_in_dim3A_230 = vector.broadcast %jit3A_228 : i32 to vector<16xi32>
      %broadcast_in_dim3A_231 = vector.broadcast %jit3A_229 : i32 to vector<16xi32>
      %select_n3A_232 = arith.select %eq3A_224, %broadcast_in_dim3A_230, %broadcast_in_dim3A_231 : vector<16xi1>, vector<16xi32>
      %or3A_233 = arith.ori %get3A_227, %select_n3A_232 : vector<16xi32>
      %swap3A_234 = arith.constant 16 : index
      %swap3A_235 = tpu.vector_load %arg7[%swap3A_234] {strides = array<i32>} : memref<512xi32, #tpu.memory_space<vmem>>, vector<16xi32>,
      %swap3A_236 = vector.shape_cast %swap3A_235 : vector<16xi32> to vector<16xi32>
      %swap3A_237 = vector.shape_cast %or3A_233 : vector<16xi32> to vector<16xi32>
      tpu.vector_store %arg7[%swap3A_234], %swap3A_237 {strides = array<i32>} : memref<512xi32, #tpu.memory_space<vmem>>, vector<16xi32>,
      %get3A_238 = arith.index_cast %scan3A_201 : i32 to index
      %get3A_239 = arith.constant 32 : index
      %get3A_240 = tpu.vector_load %arg5[%get3A_238, %get3A_239] {strides = array<i32>} : memref<16x512xf32, #tpu.memory_space<vmem>>, vector<1x16xf32>,
      %get3A_241 = vector.shape_cast %get3A_240 : vector<1x16xf32> to vector<16xf32>
      %eq3A_242 = arith.cmpf oeq, %get3A_241, %get3A_205 : vector<16xf32>
      %get3A_243 = arith.constant 32 : index
      %get3A_244 = tpu.vector_load %arg7[%get3A_243] {strides = array<i32>} : memref<512xi32, #tpu.memory_space<vmem>>, vector<16xi32>,
      %get3A_245 = vector.shape_cast %get3A_244 : vector<16xi32> to vector<16xi32>
      %jit3A_246 = arith.constant 1 : i32
      %jit3A_247 = arith.constant 0 : i32
      %broadcast_in_dim3A_248 = vector.broadcast %jit3A_246 : i32 to vector<16xi32>
      %broadcast_in_dim3A_249 = vector.broadcast %jit3A_247 : i32 to vector<16xi32>
      %select_n3A_250 = arith.select %eq3A_242, %broadcast_in_dim3A_248, %broadcast_in_dim3A_249 : vector<16xi1>, vector<16xi32>
      %or3A_251 = arith.ori %get3A_245, %select_n3A_250 : vector<16xi32>
      %swap3A_252 = arith.constant 32 : index
      %swap3A_253 = tpu.vector_load %arg7[%swap3A_252] {strides = array<i32>} : memref<512xi32, #tpu.memory_space<vmem>>, vector<16xi32>,
      %swap3A_254 = vector.shape_cast %swap3A_253 : vector<16xi32> to vector<16xi32>
      %swap3A_255 = vector.shape_cast %or3A_251 : vector<16xi32> to vector<16xi32>
      tpu.vector_store %arg7[%swap3A_252], %swap3A_255 {strides = array<i32>} : memref<512xi32, #tpu.memory_space<vmem>>, vector<16xi32>,
      %get3A_256 = arith.index_cast %scan3A_201 : i32 to index
      %get3A_257 = arith.constant 48 : index
      %get3A_258 = tpu.vector_load %arg5[%get3A_256, %get3A_257] {strides = array<i32>} : memref<16x512xf32, #tpu.memory_space<vmem>>, vector<1x16xf32>,
      %get3A_259 = vector.shape_cast %get3A_258 : vector<1x16xf32> to vector<16xf32>
      %eq3A_260 = arith.cmpf oeq, %get3A_259, %get3A_205 : vector<16xf32>
      %get3A_261 = arith.constant 48 : index
      %get3A_262 = tpu.vector_load %arg7[%get3A_261] {strides = array<i32>} : memref<512xi32, #tpu.memory_space<vmem>>, vector<16xi32>,
      %get3A_263 = vector.shape_cast %get3A_262 : vector<16xi32> to vector<16xi32>
      %jit3A_264 = arith.constant 1 : i32
      %jit3A_265 = arith.constant 0 : i32
      %broadcast_in_dim3A_266 = vector.broadcast %jit3A_264 : i32 to vector<16xi32>
      %broadcast_in_dim3A_267 = vector.broadcast %jit3A_265 : i32 to vector<16xi32>
      %select_n3A_268 = arith.select %eq3A_260, %broadcast_in_dim3A_266, %broadcast_in_dim3A_267 : vector<16xi1>, vector<16xi32>
      %or3A_269 = arith.ori %get3A_263, %select_n3A_268 : vector<16xi32>
      %swap3A_270 = arith.constant 48 : index
      %swap3A_271 = tpu.vector_load %arg7[%swap3A_270] {strides = array<i32>} : memref<512xi32, #tpu.memory_space<vmem>>, vector<16xi32>,
      %swap3A_272 = vector.shape_cast %swap3A_271 : vector<16xi32> to vector<16xi32>
      %swap3A_273 = vector.shape_cast %or3A_269 : vector<16xi32> to vector<16xi32>
      tpu.vector_store %arg7[%swap3A_270], %swap3A_273 {strides = array<i32>} : memref<512xi32, #tpu.memory_space<vmem>>, vector<16xi32>,
      %get3A_274 = arith.index_cast %scan3A_201 : i32 to index
      %get3A_275 = arith.constant 64 : index
      %get3A_276 = tpu.vector_load %arg5[%get3A_274, %get3A_275] {strides = array<i32>} : memref<16x512xf32, #tpu.memory_space<vmem>>, vector<1x16xf32>,
      %get3A_277 = vector.shape_cast %get3A_276 : vector<1x16xf32> to vector<16xf32>
      %eq3A_278 = arith.cmpf oeq, %get3A_277, %get3A_205 : vector<16xf32>
      %get3A_279 = arith.constant 64 : index
      %get3A_280 = tpu.vector_load %arg7[%get3A_279] {strides = array<i32>} : memref<512xi32, #tpu.memory_space<vmem>>, vector<16xi32>,
      %get3A_281 = vector.shape_cast %get3A_280 : vector<16xi32> to vector<16xi32>
      %jit3A_282 = arith.constant 1 : i32
      %jit3A_283 = arith.constant 0 : i32
      %broadcast_in_dim3A_284 = vector.broadcast %jit3A_282 : i32 to vector<16xi32>
      %broadcast_in_dim3A_285 = vector.broadcast %jit3A_283 : i32 to vector<16xi32>
      %select_n3A_286 = arith.select %eq3A_278, %broadcast_in_dim3A_284, %broadcast_in_dim3A_285 : vector<16xi1>, vector<16xi32>
      %or3A_287 = arith.ori %get3A_281, %select_n3A_286 : vector<16xi32>
      %swap3A_288 = arith.constant 64 : index
      %swap3A_289 = tpu.vector_load %arg7[%swap3A_288] {strides = array<i32>} : memref<512xi32, #tpu.memory_space<vmem>>, vector<16xi32>,
      %swap3A_290 = vector.shape_cast %swap3A_289 : vector<16xi32> to vector<16xi32>
      %swap3A_291 = vector.shape_cast %or3A_287 : vector<16xi32> to vector<16xi32>
      tpu.vector_store %arg7[%swap3A_288], %swap3A_291 {strides = array<i32>} : memref<512xi32, #tpu.memory_space<vmem>>, vector<16xi32>,
      %get3A_292 = arith.index_cast %scan3A_201 : i32 to index
      %get3A_293 = arith.constant 80 : index
      %get3A_294 = tpu.vector_load %arg5[%get3A_292, %get3A_293] {strides = array<i32>} : memref<16x512xf32, #tpu.memory_space<vmem>>, vector<1x16xf32>,
      %get3A_295 = vector.shape_cast %get3A_294 : vector<1x16xf32> to vector<16xf32>
      %eq3A_296 = arith.cmpf oeq, %get3A_295, %get3A_205 : vector<16xf32>
      %get3A_297 = arith.constant 80 : index
      %get3A_298 = tpu.vector_load %arg7[%get3A_297] {strides = array<i32>} : memref<512xi32, #tpu.memory_space<vmem>>, vector<16xi32>,
      %get3A_299 = vector.shape_cast %get3A_298 : vector<16xi32> to vector<16xi32>
      %jit3A_300 = arith.constant 1 : i32
      %jit3A_301 = arith.constant 0 : i32
      %broadcast_in_dim3A_302 = vector.broadcast %jit3A_300 : i32 to vector<16xi32>
      %broadcast_in_dim3A_303 = vector.broadcast %jit3A_301 : i32 to vector<16xi32>
      %select_n3A_304 = arith.select %eq3A_296, %broadcast_in_dim3A_302, %broadcast_in_dim3A_303 : vector<16xi1>, vector<16xi32>
      %or3A_305 = arith.ori %get3A_299, %select_n3A_304 : vector<16xi32>
      %swap3A_306 = arith.constant 80 : index
      %swap3A_307 = tpu.vector_load %arg7[%swap3A_306] {strides = array<i32>} : memref<512xi32, #tpu.memory_space<vmem>>, vector<16xi32>,
      %swap3A_308 = vector.shape_cast %swap3A_307 : vector<16xi32> to vector<16xi32>
      %swap3A_309 = vector.shape_cast %or3A_305 : vector<16xi32> to vector<16xi32>
      tpu.vector_store %arg7[%swap3A_306], %swap3A_309 {strides = array<i32>} : memref<512xi32, #tpu.memory_space<vmem>>, vector<16xi32>,
      %get3A_310 = arith.index_cast %scan3A_201 : i32 to index
      %get3A_311 = arith.constant 96 : index
      %get3A_312 = tpu.vector_load %arg5[%get3A_310, %get3A_311] {strides = array<i32>} : memref<16x512xf32, #tpu.memory_space<vmem>>, vector<1x16xf32>,
      %get3A_313 = vector.shape_cast %get3A_312 : vector<1x16xf32> to vector<16xf32>
      %eq3A_314 = arith.cmpf oeq, %get3A_313, %get3A_205 : vector<16xf32>
      %get3A_315 = arith.constant 96 : index
      %get3A_316 = tpu.vector_load %arg7[%get3A_315] {strides = array<i32>} : memref<512xi32, #tpu.memory_space<vmem>>, vector<16xi32>,
      %get3A_317 = vector.shape_cast %get3A_316 : vector<16xi32> to vector<16xi32>
      %jit3A_318 = arith.constant 1 : i32
      %jit3A_319 = arith.constant 0 : i32
      %broadcast_in_dim3A_320 = vector.broadcast %jit3A_318 : i32 to vector<16xi32>
      %broadcast_in_dim3A_321 = vector.broadcast %jit3A_319 : i32 to vector<16xi32>
      %select_n3A_322 = arith.select %eq3A_314, %broadcast_in_dim3A_320, %broadcast_in_dim3A_321 : vector<16xi1>, vector<16xi32>
      %or3A_323 = arith.ori %get3A_317, %select_n3A_322 : vector<16xi32>
      %swap3A_324 = arith.constant 96 : index
      %swap3A_325 = tpu.vector_load %arg7[%swap3A_324] {strides = array<i32>} : memref<512xi32, #tpu.memory_space<vmem>>, vector<16xi32>,
      %swap3A_326 = vector.shape_cast %swap3A_325 : vector<16xi32> to vector<16xi32>
      %swap3A_327 = vector.shape_cast %or3A_323 : vector<16xi32> to vector<16xi32>
      tpu.vector_store %arg7[%swap3A_324], %swap3A_327 {strides = array<i32>} : memref<512xi32, #tpu.memory_space<vmem>>, vector<16xi32>,
      %get3A_328 = arith.index_cast %scan3A_201 : i32 to index
      %get3A_329 = arith.constant 112 : index
      %get3A_330 = tpu.vector_load %arg5[%get3A_328, %get3A_329] {strides = array<i32>} : memref<16x512xf32, #tpu.memory_space<vmem>>, vector<1x16xf32>,
      %get3A_331 = vector.shape_cast %get3A_330 : vector<1x16xf32> to vector<16xf32>
      %eq3A_332 = arith.cmpf oeq, %get3A_331, %get3A_205 : vector<16xf32>
      %get3A_333 = arith.constant 112 : index
      %get3A_334 = tpu.vector_load %arg7[%get3A_333] {strides = array<i32>} : memref<512xi32, #tpu.memory_space<vmem>>, vector<16xi32>,
      %get3A_335 = vector.shape_cast %get3A_334 : vector<16xi32> to vector<16xi32>
      %jit3A_336 = arith.constant 1 : i32
      %jit3A_337 = arith.constant 0 : i32
      %broadcast_in_dim3A_338 = vector.broadcast %jit3A_336 : i32 to vector<16xi32>
      %broadcast_in_dim3A_339 = vector.broadcast %jit3A_337 : i32 to vector<16xi32>
      %select_n3A_340 = arith.select %eq3A_332, %broadcast_in_dim3A_338, %broadcast_in_dim3A_339 : vector<16xi1>, vector<16xi32>
      %or3A_341 = arith.ori %get3A_335, %select_n3A_340 : vector<16xi32>
      %swap3A_342 = arith.constant 112 : index
      %swap3A_343 = tpu.vector_load %arg7[%swap3A_342] {strides = array<i32>} : memref<512xi32, #tpu.memory_space<vmem>>, vector<16xi32>,
      %swap3A_344 = vector.shape_cast %swap3A_343 : vector<16xi32> to vector<16xi32>
      %swap3A_345 = vector.shape_cast %or3A_341 : vector<16xi32> to vector<16xi32>
      tpu.vector_store %arg7[%swap3A_342], %swap3A_345 {strides = array<i32>} : memref<512xi32, #tpu.memory_space<vmem>>, vector<16xi32>,
      %get3A_346 = arith.index_cast %scan3A_201 : i32 to index
      %get3A_347 = arith.constant 128 : index
      %get3A_348 = tpu.vector_load %arg5[%get3A_346, %get3A_347] {strides = array<i32>} : memref<16x512xf32, #tpu.memory_space<vmem>>, vector<1x16xf32>,
      %get3A_349 = vector.shape_cast %get3A_348 : vector<1x16xf32> to vector<16xf32>
      %eq3A_350 = arith.cmpf oeq, %get3A_349, %get3A_205 : vector<16xf32>
      %get3A_351 = arith.constant 128 : index
      %get3A_352 = tpu.vector_load %arg7[%get3A_351] {strides = array<i32>} : memref<512xi32, #tpu.memory_space<vmem>>, vector<16xi32>,
      %get3A_353 = vector.shape_cast %get3A_352 : vector<16xi32> to vector<16xi32>
      %jit3A_354 = arith.constant 1 : i32
      %jit3A_355 = arith.constant 0 : i32
      %broadcast_in_dim3A_356 = vector.broadcast %jit3A_354 : i32 to vector<16xi32>
      %broadcast_in_dim3A_357 = vector.broadcast %jit3A_355 : i32 to vector<16xi32>
      %select_n3A_358 = arith.select %eq3A_350, %broadcast_in_dim3A_356, %broadcast_in_dim3A_357 : vector<16xi1>, vector<16xi32>
      %or3A_359 = arith.ori %get3A_353, %select_n3A_358 : vector<16xi32>
      %swap3A_360 = arith.constant 128 : index
      %swap3A_361 = tpu.vector_load %arg7[%swap3A_360] {strides = array<i32>} : memref<512xi32, #tpu.memory_space<vmem>>, vector<16xi32>,
      %swap3A_362 = vector.shape_cast %swap3A_361 : vector<16xi32> to vector<16xi32>
      %swap3A_363 = vector.shape_cast %or3A_359 : vector<16xi32> to vector<16xi32>
      tpu.vector_store %arg7[%swap3A_360], %swap3A_363 {strides = array<i32>} : memref<512xi32, #tpu.memory_space<vmem>>, vector<16xi32>,
      %get3A_364 = arith.index_cast %scan3A_201 : i32 to index
      %get3A_365 = arith.constant 144 : index
      %get3A_366 = tpu.vector_load %arg5[%get3A_364, %get3A_365] {strides = array<i32>} : memref<16x512xf32, #tpu.memory_space<vmem>>, vector<1x16xf32>,
      %get3A_367 = vector.shape_cast %get3A_366 : vector<1x16xf32> to vector<16xf32>
      %eq3A_368 = arith.cmpf oeq, %get3A_367, %get3A_205 : vector<16xf32>
      %get3A_369 = arith.constant 144 : index
      %get3A_370 = tpu.vector_load %arg7[%get3A_369] {strides = array<i32>} : memref<512xi32, #tpu.memory_space<vmem>>, vector<16xi32>,
      %get3A_371 = vector.shape_cast %get3A_370 : vector<16xi32> to vector<16xi32>
      %jit3A_372 = arith.constant 1 : i32
      %jit3A_373 = arith.constant 0 : i32
      %broadcast_in_dim3A_374 = vector.broadcast %jit3A_372 : i32 to vector<16xi32>
      %broadcast_in_dim3A_375 = vector.broadcast %jit3A_373 : i32 to vector<16xi32>
      %select_n3A_376 = arith.select %eq3A_368, %broadcast_in_dim3A_374, %broadcast_in_dim3A_375 : vector<16xi1>, vector<16xi32>
      %or3A_377 = arith.ori %get3A_371, %select_n3A_376 : vector<16xi32>
      %swap3A_378 = arith.constant 144 : index
      %swap3A_379 = tpu.vector_load %arg7[%swap3A_378] {strides = array<i32>} : memref<512xi32, #tpu.memory_space<vmem>>, vector<16xi32>,
      %swap3A_380 = vector.shape_cast %swap3A_379 : vector<16xi32> to vector<16xi32>
      %swap3A_381 = vector.shape_cast %or3A_377 : vector<16xi32> to vector<16xi32>
      tpu.vector_store %arg7[%swap3A_378], %swap3A_381 {strides = array<i32>} : memref<512xi32, #tpu.memory_space<vmem>>, vector<16xi32>,
      %get3A_382 = arith.index_cast %scan3A_201 : i32 to index
      %get3A_383 = arith.constant 160 : index
      %get3A_384 = tpu.vector_load %arg5[%get3A_382, %get3A_383] {strides = array<i32>} : memref<16x512xf32, #tpu.memory_space<vmem>>, vector<1x16xf32>,
      %get3A_385 = vector.shape_cast %get3A_384 : vector<1x16xf32> to vector<16xf32>
      %eq3A_386 = arith.cmpf oeq, %get3A_385, %get3A_205 : vector<16xf32>
      %get3A_387 = arith.constant 160 : index
      %get3A_388 = tpu.vector_load %arg7[%get3A_387] {strides = array<i32>} : memref<512xi32, #tpu.memory_space<vmem>>, vector<16xi32>,
      %get3A_389 = vector.shape_cast %get3A_388 : vector<16xi32> to vector<16xi32>
      %jit3A_390 = arith.constant 1 : i32
      %jit3A_391 = arith.constant 0 : i32
      %broadcast_in_dim3A_392 = vector.broadcast %jit3A_390 : i32 to vector<16xi32>
      %broadcast_in_dim3A_393 = vector.broadcast %jit3A_391 : i32 to vector<16xi32>
      %select_n3A_394 = arith.select %eq3A_386, %broadcast_in_dim3A_392, %broadcast_in_dim3A_393 : vector<16xi1>, vector<16xi32>
      %or3A_395 = arith.ori %get3A_389, %select_n3A_394 : vector<16xi32>
      %swap3A_396 = arith.constant 160 : index
      %swap3A_397 = tpu.vector_load %arg7[%swap3A_396] {strides = array<i32>} : memref<512xi32, #tpu.memory_space<vmem>>, vector<16xi32>,
      %swap3A_398 = vector.shape_cast %swap3A_397 : vector<16xi32> to vector<16xi32>
      %swap3A_399 = vector.shape_cast %or3A_395 : vector<16xi32> to vector<16xi32>
      tpu.vector_store %arg7[%swap3A_396], %swap3A_399 {strides = array<i32>} : memref<512xi32, #tpu.memory_space<vmem>>, vector<16xi32>,
      %get3A_400 = arith.index_cast %scan3A_201 : i32 to index
      %get3A_401 = arith.constant 176 : index
      %get3A_402 = tpu.vector_load %arg5[%get3A_400, %get3A_401] {strides = array<i32>} : memref<16x512xf32, #tpu.memory_space<vmem>>, vector<1x16xf32>,
      %get3A_403 = vector.shape_cast %get3A_402 : vector<1x16xf32> to vector<16xf32>
      %eq3A_404 = arith.cmpf oeq, %get3A_403, %get3A_205 : vector<16xf32>
      %get3A_405 = arith.constant 176 : index
      %get3A_406 = tpu.vector_load %arg7[%get3A_405] {strides = array<i32>} : memref<512xi32, #tpu.memory_space<vmem>>, vector<16xi32>,
      %get3A_407 = vector.shape_cast %get3A_406 : vector<16xi32> to vector<16xi32>
      %jit3A_408 = arith.constant 1 : i32
      %jit3A_409 = arith.constant 0 : i32
      %broadcast_in_dim3A_410 = vector.broadcast %jit3A_408 : i32 to vector<16xi32>
      %broadcast_in_dim3A_411 = vector.broadcast %jit3A_409 : i32 to vector<16xi32>
      %select_n3A_412 = arith.select %eq3A_404, %broadcast_in_dim3A_410, %broadcast_in_dim3A_411 : vector<16xi1>, vector<16xi32>
      %or3A_413 = arith.ori %get3A_407, %select_n3A_412 : vector<16xi32>
      %swap3A_414 = arith.constant 176 : index
      %swap3A_415 = tpu.vector_load %arg7[%swap3A_414] {strides = array<i32>} : memref<512xi32, #tpu.memory_space<vmem>>, vector<16xi32>,
      %swap3A_416 = vector.shape_cast %swap3A_415 : vector<16xi32> to vector<16xi32>
      %swap3A_417 = vector.shape_cast %or3A_413 : vector<16xi32> to vector<16xi32>
      tpu.vector_store %arg7[%swap3A_414], %swap3A_417 {strides = array<i32>} : memref<512xi32, #tpu.memory_space<vmem>>, vector<16xi32>,
      %get3A_418 = arith.index_cast %scan3A_201 : i32 to index
      %get3A_419 = arith.constant 192 : index
      %get3A_420 = tpu.vector_load %arg5[%get3A_418, %get3A_419] {strides = array<i32>} : memref<16x512xf32, #tpu.memory_space<vmem>>, vector<1x16xf32>,
      %get3A_421 = vector.shape_cast %get3A_420 : vector<1x16xf32> to vector<16xf32>
      %eq3A_422 = arith.cmpf oeq, %get3A_421, %get3A_205 : vector<16xf32>
      %get3A_423 = arith.constant 192 : index
      %get3A_424 = tpu.vector_load %arg7[%get3A_423] {strides = array<i32>} : memref<512xi32, #tpu.memory_space<vmem>>, vector<16xi32>,
      %get3A_425 = vector.shape_cast %get3A_424 : vector<16xi32> to vector<16xi32>
      %jit3A_426 = arith.constant 1 : i32
      %jit3A_427 = arith.constant 0 : i32
      %broadcast_in_dim3A_428 = vector.broadcast %jit3A_426 : i32 to vector<16xi32>
      %broadcast_in_dim3A_429 = vector.broadcast %jit3A_427 : i32 to vector<16xi32>
      %select_n3A_430 = arith.select %eq3A_422, %broadcast_in_dim3A_428, %broadcast_in_dim3A_429 : vector<16xi1>, vector<16xi32>
      %or3A_431 = arith.ori %get3A_425, %select_n3A_430 : vector<16xi32>
      %swap3A_432 = arith.constant 192 : index
      %swap3A_433 = tpu.vector_load %arg7[%swap3A_432] {strides = array<i32>} : memref<512xi32, #tpu.memory_space<vmem>>, vector<16xi32>,
      %swap3A_434 = vector.shape_cast %swap3A_433 : vector<16xi32> to vector<16xi32>
      %swap3A_435 = vector.shape_cast %or3A_431 : vector<16xi32> to vector<16xi32>
      tpu.vector_store %arg7[%swap3A_432], %swap3A_435 {strides = array<i32>} : memref<512xi32, #tpu.memory_space<vmem>>, vector<16xi32>,
      %get3A_436 = arith.index_cast %scan3A_201 : i32 to index
      %get3A_437 = arith.constant 208 : index
      %get3A_438 = tpu.vector_load %arg5[%get3A_436, %get3A_437] {strides = array<i32>} : memref<16x512xf32, #tpu.memory_space<vmem>>, vector<1x16xf32>,
      %get3A_439 = vector.shape_cast %get3A_438 : vector<1x16xf32> to vector<16xf32>
      %eq3A_440 = arith.cmpf oeq, %get3A_439, %get3A_205 : vector<16xf32>
      %get3A_441 = arith.constant 208 : index
      %get3A_442 = tpu.vector_load %arg7[%get3A_441] {strides = array<i32>} : memref<512xi32, #tpu.memory_space<vmem>>, vector<16xi32>,
      %get3A_443 = vector.shape_cast %get3A_442 : vector<16xi32> to vector<16xi32>
      %jit3A_444 = arith.constant 1 : i32
      %jit3A_445 = arith.constant 0 : i32
      %broadcast_in_dim3A_446 = vector.broadcast %jit3A_444 : i32 to vector<16xi32>
      %broadcast_in_dim3A_447 = vector.broadcast %jit3A_445 : i32 to vector<16xi32>
      %select_n3A_448 = arith.select %eq3A_440, %broadcast_in_dim3A_446, %broadcast_in_dim3A_447 : vector<16xi1>, vector<16xi32>
      %or3A_449 = arith.ori %get3A_443, %select_n3A_448 : vector<16xi32>
      %swap3A_450 = arith.constant 208 : index
      %swap3A_451 = tpu.vector_load %arg7[%swap3A_450] {strides = array<i32>} : memref<512xi32, #tpu.memory_space<vmem>>, vector<16xi32>,
      %swap3A_452 = vector.shape_cast %swap3A_451 : vector<16xi32> to vector<16xi32>
      %swap3A_453 = vector.shape_cast %or3A_449 : vector<16xi32> to vector<16xi32>
      tpu.vector_store %arg7[%swap3A_450], %swap3A_453 {strides = array<i32>} : memref<512xi32, #tpu.memory_space<vmem>>, vector<16xi32>,
      %get3A_454 = arith.index_cast %scan3A_201 : i32 to index
      %get3A_455 = arith.constant 224 : index
      %get3A_456 = tpu.vector_load %arg5[%get3A_454, %get3A_455] {strides = array<i32>} : memref<16x512xf32, #tpu.memory_space<vmem>>, vector<1x16xf32>,
      %get3A_457 = vector.shape_cast %get3A_456 : vector<1x16xf32> to vector<16xf32>
      %eq3A_458 = arith.cmpf oeq, %get3A_457, %get3A_205 : vector<16xf32>
      %get3A_459 = arith.constant 224 : index
      %get3A_460 = tpu.vector_load %arg7[%get3A_459] {strides = array<i32>} : memref<512xi32, #tpu.memory_space<vmem>>, vector<16xi32>,
      %get3A_461 = vector.shape_cast %get3A_460 : vector<16xi32> to vector<16xi32>
      %jit3A_462 = arith.constant 1 : i32
      %jit3A_463 = arith.constant 0 : i32
      %broadcast_in_dim3A_464 = vector.broadcast %jit3A_462 : i32 to vector<16xi32>
      %broadcast_in_dim3A_465 = vector.broadcast %jit3A_463 : i32 to vector<16xi32>
      %select_n3A_466 = arith.select %eq3A_458, %broadcast_in_dim3A_464, %broadcast_in_dim3A_465 : vector<16xi1>, vector<16xi32>
      %or3A_467 = arith.ori %get3A_461, %select_n3A_466 : vector<16xi32>
      %swap3A_468 = arith.constant 224 : index
      %swap3A_469 = tpu.vector_load %arg7[%swap3A_468] {strides = array<i32>} : memref<512xi32, #tpu.memory_space<vmem>>, vector<16xi32>,
      %swap3A_470 = vector.shape_cast %swap3A_469 : vector<16xi32> to vector<16xi32>
      %swap3A_471 = vector.shape_cast %or3A_467 : vector<16xi32> to vector<16xi32>
      tpu.vector_store %arg7[%swap3A_468], %swap3A_471 {strides = array<i32>} : memref<512xi32, #tpu.memory_space<vmem>>, vector<16xi32>,
      %get3A_472 = arith.index_cast %scan3A_201 : i32 to index
      %get3A_473 = arith.constant 240 : index
      %get3A_474 = tpu.vector_load %arg5[%get3A_472, %get3A_473] {strides = array<i32>} : memref<16x512xf32, #tpu.memory_space<vmem>>, vector<1x16xf32>,
      %get3A_475 = vector.shape_cast %get3A_474 : vector<1x16xf32> to vector<16xf32>
      %eq3A_476 = arith.cmpf oeq, %get3A_475, %get3A_205 : vector<16xf32>
      %get3A_477 = arith.constant 240 : index
      %get3A_478 = tpu.vector_load %arg7[%get3A_477] {strides = array<i32>} : memref<512xi32, #tpu.memory_space<vmem>>, vector<16xi32>,
      %get3A_479 = vector.shape_cast %get3A_478 : vector<16xi32> to vector<16xi32>
      %jit3A_480 = arith.constant 1 : i32
      %jit3A_481 = arith.constant 0 : i32
      %broadcast_in_dim3A_482 = vector.broadcast %jit3A_480 : i32 to vector<16xi32>
      %broadcast_in_dim3A_483 = vector.broadcast %jit3A_481 : i32 to vector<16xi32>
      %select_n3A_484 = arith.select %eq3A_476, %broadcast_in_dim3A_482, %broadcast_in_dim3A_483 : vector<16xi1>, vector<16xi32>
      %or3A_485 = arith.ori %get3A_479, %select_n3A_484 : vector<16xi32>
      %swap3A_486 = arith.constant 240 : index
      %swap3A_487 = tpu.vector_load %arg7[%swap3A_486] {strides = array<i32>} : memref<512xi32, #tpu.memory_space<vmem>>, vector<16xi32>,
      %swap3A_488 = vector.shape_cast %swap3A_487 : vector<16xi32> to vector<16xi32>
      %swap3A_489 = vector.shape_cast %or3A_485 : vector<16xi32> to vector<16xi32>
      tpu.vector_store %arg7[%swap3A_486], %swap3A_489 {strides = array<i32>} : memref<512xi32, #tpu.memory_space<vmem>>, vector<16xi32>,
      %get3A_490 = arith.index_cast %scan3A_201 : i32 to index
      %get3A_491 = arith.constant 256 : index
      %get3A_492 = tpu.vector_load %arg5[%get3A_490, %get3A_491] {strides = array<i32>} : memref<16x512xf32, #tpu.memory_space<vmem>>, vector<1x16xf32>,
      %get3A_493 = vector.shape_cast %get3A_492 : vector<1x16xf32> to vector<16xf32>
      %eq3A_494 = arith.cmpf oeq, %get3A_493, %get3A_205 : vector<16xf32>
      %get3A_495 = arith.constant 256 : index
      %get3A_496 = tpu.vector_load %arg7[%get3A_495] {strides = array<i32>} : memref<512xi32, #tpu.memory_space<vmem>>, vector<16xi32>,
      %get3A_497 = vector.shape_cast %get3A_496 : vector<16xi32> to vector<16xi32>
      %jit3A_498 = arith.constant 1 : i32
      %jit3A_499 = arith.constant 0 : i32
      %broadcast_in_dim3A_500 = vector.broadcast %jit3A_498 : i32 to vector<16xi32>
      %broadcast_in_dim3A_501 = vector.broadcast %jit3A_499 : i32 to vector<16xi32>
      %select_n3A_502 = arith.select %eq3A_494, %broadcast_in_dim3A_500, %broadcast_in_dim3A_501 : vector<16xi1>, vector<16xi32>
      %or3A_503 = arith.ori %get3A_497, %select_n3A_502 : vector<16xi32>
      %swap3A_504 = arith.constant 256 : index
      %swap3A_505 = tpu.vector_load %arg7[%swap3A_504] {strides = array<i32>} : memref<512xi32, #tpu.memory_space<vmem>>, vector<16xi32>,
      %swap3A_506 = vector.shape_cast %swap3A_505 : vector<16xi32> to vector<16xi32>
      %swap3A_507 = vector.shape_cast %or3A_503 : vector<16xi32> to vector<16xi32>
      tpu.vector_store %arg7[%swap3A_504], %swap3A_507 {strides = array<i32>} : memref<512xi32, #tpu.memory_space<vmem>>, vector<16xi32>,
      %get3A_508 = arith.index_cast %scan3A_201 : i32 to index
      %get3A_509 = arith.constant 272 : index
      %get3A_510 = tpu.vector_load %arg5[%get3A_508, %get3A_509] {strides = array<i32>} : memref<16x512xf32, #tpu.memory_space<vmem>>, vector<1x16xf32>,
      %get3A_511 = vector.shape_cast %get3A_510 : vector<1x16xf32> to vector<16xf32>
      %eq3A_512 = arith.cmpf oeq, %get3A_511, %get3A_205 : vector<16xf32>
      %get3A_513 = arith.constant 272 : index
      %get3A_514 = tpu.vector_load %arg7[%get3A_513] {strides = array<i32>} : memref<512xi32, #tpu.memory_space<vmem>>, vector<16xi32>,
      %get3A_515 = vector.shape_cast %get3A_514 : vector<16xi32> to vector<16xi32>
      %jit3A_516 = arith.constant 1 : i32
      %jit3A_517 = arith.constant 0 : i32
      %broadcast_in_dim3A_518 = vector.broadcast %jit3A_516 : i32 to vector<16xi32>
      %broadcast_in_dim3A_519 = vector.broadcast %jit3A_517 : i32 to vector<16xi32>
      %select_n3A_520 = arith.select %eq3A_512, %broadcast_in_dim3A_518, %broadcast_in_dim3A_519 : vector<16xi1>, vector<16xi32>
      %or3A_521 = arith.ori %get3A_515, %select_n3A_520 : vector<16xi32>
      %swap3A_522 = arith.constant 272 : index
      %swap3A_523 = tpu.vector_load %arg7[%swap3A_522] {strides = array<i32>} : memref<512xi32, #tpu.memory_space<vmem>>, vector<16xi32>,
      %swap3A_524 = vector.shape_cast %swap3A_523 : vector<16xi32> to vector<16xi32>
      %swap3A_525 = vector.shape_cast %or3A_521 : vector<16xi32> to vector<16xi32>
      tpu.vector_store %arg7[%swap3A_522], %swap3A_525 {strides = array<i32>} : memref<512xi32, #tpu.memory_space<vmem>>, vector<16xi32>,
      %get3A_526 = arith.index_cast %scan3A_201 : i32 to index
      %get3A_527 = arith.constant 288 : index
      %get3A_528 = tpu.vector_load %arg5[%get3A_526, %get3A_527] {strides = array<i32>} : memref<16x512xf32, #tpu.memory_space<vmem>>, vector<1x16xf32>,
      %get3A_529 = vector.shape_cast %get3A_528 : vector<1x16xf32> to vector<16xf32>
      %eq3A_530 = arith.cmpf oeq, %get3A_529, %get3A_205 : vector<16xf32>
      %get3A_531 = arith.constant 288 : index
      %get3A_532 = tpu.vector_load %arg7[%get3A_531] {strides = array<i32>} : memref<512xi32, #tpu.memory_space<vmem>>, vector<16xi32>,
      %get3A_533 = vector.shape_cast %get3A_532 : vector<16xi32> to vector<16xi32>
      %jit3A_534 = arith.constant 1 : i32
      %jit3A_535 = arith.constant 0 : i32
      %broadcast_in_dim3A_536 = vector.broadcast %jit3A_534 : i32 to vector<16xi32>
      %broadcast_in_dim3A_537 = vector.broadcast %jit3A_535 : i32 to vector<16xi32>
      %select_n3A_538 = arith.select %eq3A_530, %broadcast_in_dim3A_536, %broadcast_in_dim3A_537 : vector<16xi1>, vector<16xi32>
      %or3A_539 = arith.ori %get3A_533, %select_n3A_538 : vector<16xi32>
      %swap3A_540 = arith.constant 288 : index
      %swap3A_541 = tpu.vector_load %arg7[%swap3A_540] {strides = array<i32>} : memref<512xi32, #tpu.memory_space<vmem>>, vector<16xi32>,
      %swap3A_542 = vector.shape_cast %swap3A_541 : vector<16xi32> to vector<16xi32>
      %swap3A_543 = vector.shape_cast %or3A_539 : vector<16xi32> to vector<16xi32>
      tpu.vector_store %arg7[%swap3A_540], %swap3A_543 {strides = array<i32>} : memref<512xi32, #tpu.memory_space<vmem>>, vector<16xi32>,
      %get3A_544 = arith.index_cast %scan3A_201 : i32 to index
      %get3A_545 = arith.constant 304 : index
      %get3A_546 = tpu.vector_load %arg5[%get3A_544, %get3A_545] {strides = array<i32>} : memref<16x512xf32, #tpu.memory_space<vmem>>, vector<1x16xf32>,
      %get3A_547 = vector.shape_cast %get3A_546 : vector<1x16xf32> to vector<16xf32>
      %eq3A_548 = arith.cmpf oeq, %get3A_547, %get3A_205 : vector<16xf32>
      %get3A_549 = arith.constant 304 : index
      %get3A_550 = tpu.vector_load %arg7[%get3A_549] {strides = array<i32>} : memref<512xi32, #tpu.memory_space<vmem>>, vector<16xi32>,
      %get3A_551 = vector.shape_cast %get3A_550 : vector<16xi32> to vector<16xi32>
      %jit3A_552 = arith.constant 1 : i32
      %jit3A_553 = arith.constant 0 : i32
      %broadcast_in_dim3A_554 = vector.broadcast %jit3A_552 : i32 to vector<16xi32>
      %broadcast_in_dim3A_555 = vector.broadcast %jit3A_553 : i32 to vector<16xi32>
      %select_n3A_556 = arith.select %eq3A_548, %broadcast_in_dim3A_554, %broadcast_in_dim3A_555 : vector<16xi1>, vector<16xi32>
      %or3A_557 = arith.ori %get3A_551, %select_n3A_556 : vector<16xi32>
      %swap3A_558 = arith.constant 304 : index
      %swap3A_559 = tpu.vector_load %arg7[%swap3A_558] {strides = array<i32>} : memref<512xi32, #tpu.memory_space<vmem>>, vector<16xi32>,
      %swap3A_560 = vector.shape_cast %swap3A_559 : vector<16xi32> to vector<16xi32>
      %swap3A_561 = vector.shape_cast %or3A_557 : vector<16xi32> to vector<16xi32>
      tpu.vector_store %arg7[%swap3A_558], %swap3A_561 {strides = array<i32>} : memref<512xi32, #tpu.memory_space<vmem>>, vector<16xi32>,
      %get3A_562 = arith.index_cast %scan3A_201 : i32 to index
      %get3A_563 = arith.constant 320 : index
      %get3A_564 = tpu.vector_load %arg5[%get3A_562, %get3A_563] {strides = array<i32>} : memref<16x512xf32, #tpu.memory_space<vmem>>, vector<1x16xf32>,
      %get3A_565 = vector.shape_cast %get3A_564 : vector<1x16xf32> to vector<16xf32>
      %eq3A_566 = arith.cmpf oeq, %get3A_565, %get3A_205 : vector<16xf32>
      %get3A_567 = arith.constant 320 : index
      %get3A_568 = tpu.vector_load %arg7[%get3A_567] {strides = array<i32>} : memref<512xi32, #tpu.memory_space<vmem>>, vector<16xi32>,
      %get3A_569 = vector.shape_cast %get3A_568 : vector<16xi32> to vector<16xi32>
      %jit3A_570 = arith.constant 1 : i32
      %jit3A_571 = arith.constant 0 : i32
      %broadcast_in_dim3A_572 = vector.broadcast %jit3A_570 : i32 to vector<16xi32>
      %broadcast_in_dim3A_573 = vector.broadcast %jit3A_571 : i32 to vector<16xi32>
      %select_n3A_574 = arith.select %eq3A_566, %broadcast_in_dim3A_572, %broadcast_in_dim3A_573 : vector<16xi1>, vector<16xi32>
      %or3A_575 = arith.ori %get3A_569, %select_n3A_574 : vector<16xi32>
      %swap3A_576 = arith.constant 320 : index
      %swap3A_577 = tpu.vector_load %arg7[%swap3A_576] {strides = array<i32>} : memref<512xi32, #tpu.memory_space<vmem>>, vector<16xi32>,
      %swap3A_578 = vector.shape_cast %swap3A_577 : vector<16xi32> to vector<16xi32>
      %swap3A_579 = vector.shape_cast %or3A_575 : vector<16xi32> to vector<16xi32>
      tpu.vector_store %arg7[%swap3A_576], %swap3A_579 {strides = array<i32>} : memref<512xi32, #tpu.memory_space<vmem>>, vector<16xi32>,
      %get3A_580 = arith.index_cast %scan3A_201 : i32 to index
      %get3A_581 = arith.constant 336 : index
      %get3A_582 = tpu.vector_load %arg5[%get3A_580, %get3A_581] {strides = array<i32>} : memref<16x512xf32, #tpu.memory_space<vmem>>, vector<1x16xf32>,
      %get3A_583 = vector.shape_cast %get3A_582 : vector<1x16xf32> to vector<16xf32>
      %eq3A_584 = arith.cmpf oeq, %get3A_583, %get3A_205 : vector<16xf32>
      %get3A_585 = arith.constant 336 : index
      %get3A_586 = tpu.vector_load %arg7[%get3A_585] {strides = array<i32>} : memref<512xi32, #tpu.memory_space<vmem>>, vector<16xi32>,
      %get3A_587 = vector.shape_cast %get3A_586 : vector<16xi32> to vector<16xi32>
      %jit3A_588 = arith.constant 1 : i32
      %jit3A_589 = arith.constant 0 : i32
      %broadcast_in_dim3A_590 = vector.broadcast %jit3A_588 : i32 to vector<16xi32>
      %broadcast_in_dim3A_591 = vector.broadcast %jit3A_589 : i32 to vector<16xi32>
      %select_n3A_592 = arith.select %eq3A_584, %broadcast_in_dim3A_590, %broadcast_in_dim3A_591 : vector<16xi1>, vector<16xi32>
      %or3A_593 = arith.ori %get3A_587, %select_n3A_592 : vector<16xi32>
      %swap3A_594 = arith.constant 336 : index
      %swap3A_595 = tpu.vector_load %arg7[%swap3A_594] {strides = array<i32>} : memref<512xi32, #tpu.memory_space<vmem>>, vector<16xi32>,
      %swap3A_596 = vector.shape_cast %swap3A_595 : vector<16xi32> to vector<16xi32>
      %swap3A_597 = vector.shape_cast %or3A_593 : vector<16xi32> to vector<16xi32>
      tpu.vector_store %arg7[%swap3A_594], %swap3A_597 {strides = array<i32>} : memref<512xi32, #tpu.memory_space<vmem>>, vector<16xi32>,
      %get3A_598 = arith.index_cast %scan3A_201 : i32 to index
      %get3A_599 = arith.constant 352 : index
      %get3A_600 = tpu.vector_load %arg5[%get3A_598, %get3A_599] {strides = array<i32>} : memref<16x512xf32, #tpu.memory_space<vmem>>, vector<1x16xf32>,
      %get3A_601 = vector.shape_cast %get3A_600 : vector<1x16xf32> to vector<16xf32>
      %eq3A_602 = arith.cmpf oeq, %get3A_601, %get3A_205 : vector<16xf32>
      %get3A_603 = arith.constant 352 : index
      %get3A_604 = tpu.vector_load %arg7[%get3A_603] {strides = array<i32>} : memref<512xi32, #tpu.memory_space<vmem>>, vector<16xi32>,
      %get3A_605 = vector.shape_cast %get3A_604 : vector<16xi32> to vector<16xi32>
      %jit3A_606 = arith.constant 1 : i32
      %jit3A_607 = arith.constant 0 : i32
      %broadcast_in_dim3A_608 = vector.broadcast %jit3A_606 : i32 to vector<16xi32>
      %broadcast_in_dim3A_609 = vector.broadcast %jit3A_607 : i32 to vector<16xi32>
      %select_n3A_610 = arith.select %eq3A_602, %broadcast_in_dim3A_608, %broadcast_in_dim3A_609 : vector<16xi1>, vector<16xi32>
      %or3A_611 = arith.ori %get3A_605, %select_n3A_610 : vector<16xi32>
      %swap3A_612 = arith.constant 352 : index
      %swap3A_613 = tpu.vector_load %arg7[%swap3A_612] {strides = array<i32>} : memref<512xi32, #tpu.memory_space<vmem>>, vector<16xi32>,
      %swap3A_614 = vector.shape_cast %swap3A_613 : vector<16xi32> to vector<16xi32>
      %swap3A_615 = vector.shape_cast %or3A_611 : vector<16xi32> to vector<16xi32>
      tpu.vector_store %arg7[%swap3A_612], %swap3A_615 {strides = array<i32>} : memref<512xi32, #tpu.memory_space<vmem>>, vector<16xi32>,
      %get3A_616 = arith.index_cast %scan3A_201 : i32 to index
      %get3A_617 = arith.constant 368 : index
      %get3A_618 = tpu.vector_load %arg5[%get3A_616, %get3A_617] {strides = array<i32>} : memref<16x512xf32, #tpu.memory_space<vmem>>, vector<1x16xf32>,
      %get3A_619 = vector.shape_cast %get3A_618 : vector<1x16xf32> to vector<16xf32>
      %eq3A_620 = arith.cmpf oeq, %get3A_619, %get3A_205 : vector<16xf32>
      %get3A_621 = arith.constant 368 : index
      %get3A_622 = tpu.vector_load %arg7[%get3A_621] {strides = array<i32>} : memref<512xi32, #tpu.memory_space<vmem>>, vector<16xi32>,
      %get3A_623 = vector.shape_cast %get3A_622 : vector<16xi32> to vector<16xi32>
      %jit3A_624 = arith.constant 1 : i32
      %jit3A_625 = arith.constant 0 : i32
      %broadcast_in_dim3A_626 = vector.broadcast %jit3A_624 : i32 to vector<16xi32>
      %broadcast_in_dim3A_627 = vector.broadcast %jit3A_625 : i32 to vector<16xi32>
      %select_n3A_628 = arith.select %eq3A_620, %broadcast_in_dim3A_626, %broadcast_in_dim3A_627 : vector<16xi1>, vector<16xi32>
      %or3A_629 = arith.ori %get3A_623, %select_n3A_628 : vector<16xi32>
      %swap3A_630 = arith.constant 368 : index
      %swap3A_631 = tpu.vector_load %arg7[%swap3A_630] {strides = array<i32>} : memref<512xi32, #tpu.memory_space<vmem>>, vector<16xi32>,
      %swap3A_632 = vector.shape_cast %swap3A_631 : vector<16xi32> to vector<16xi32>
      %swap3A_633 = vector.shape_cast %or3A_629 : vector<16xi32> to vector<16xi32>
      tpu.vector_store %arg7[%swap3A_630], %swap3A_633 {strides = array<i32>} : memref<512xi32, #tpu.memory_space<vmem>>, vector<16xi32>,
      %get3A_634 = arith.index_cast %scan3A_201 : i32 to index
      %get3A_635 = arith.constant 384 : index
      %get3A_636 = tpu.vector_load %arg5[%get3A_634, %get3A_635] {strides = array<i32>} : memref<16x512xf32, #tpu.memory_space<vmem>>, vector<1x16xf32>,
      %get3A_637 = vector.shape_cast %get3A_636 : vector<1x16xf32> to vector<16xf32>
      %eq3A_638 = arith.cmpf oeq, %get3A_637, %get3A_205 : vector<16xf32>
      %get3A_639 = arith.constant 384 : index
      %get3A_640 = tpu.vector_load %arg7[%get3A_639] {strides = array<i32>} : memref<512xi32, #tpu.memory_space<vmem>>, vector<16xi32>,
      %get3A_641 = vector.shape_cast %get3A_640 : vector<16xi32> to vector<16xi32>
      %jit3A_642 = arith.constant 1 : i32
      %jit3A_643 = arith.constant 0 : i32
      %broadcast_in_dim3A_644 = vector.broadcast %jit3A_642 : i32 to vector<16xi32>
      %broadcast_in_dim3A_645 = vector.broadcast %jit3A_643 : i32 to vector<16xi32>
      %select_n3A_646 = arith.select %eq3A_638, %broadcast_in_dim3A_644, %broadcast_in_dim3A_645 : vector<16xi1>, vector<16xi32>
      %or3A_647 = arith.ori %get3A_641, %select_n3A_646 : vector<16xi32>
      %swap3A_648 = arith.constant 384 : index
      %swap3A_649 = tpu.vector_load %arg7[%swap3A_648] {strides = array<i32>} : memref<512xi32, #tpu.memory_space<vmem>>, vector<16xi32>,
      %swap3A_650 = vector.shape_cast %swap3A_649 : vector<16xi32> to vector<16xi32>
      %swap3A_651 = vector.shape_cast %or3A_647 : vector<16xi32> to vector<16xi32>
      tpu.vector_store %arg7[%swap3A_648], %swap3A_651 {strides = array<i32>} : memref<512xi32, #tpu.memory_space<vmem>>, vector<16xi32>,
      %get3A_652 = arith.index_cast %scan3A_201 : i32 to index
      %get3A_653 = arith.constant 400 : index
      %get3A_654 = tpu.vector_load %arg5[%get3A_652, %get3A_653] {strides = array<i32>} : memref<16x512xf32, #tpu.memory_space<vmem>>, vector<1x16xf32>,
      %get3A_655 = vector.shape_cast %get3A_654 : vector<1x16xf32> to vector<16xf32>
      %eq3A_656 = arith.cmpf oeq, %get3A_655, %get3A_205 : vector<16xf32>
      %get3A_657 = arith.constant 400 : index
      %get3A_658 = tpu.vector_load %arg7[%get3A_657] {strides = array<i32>} : memref<512xi32, #tpu.memory_space<vmem>>, vector<16xi32>,
      %get3A_659 = vector.shape_cast %get3A_658 : vector<16xi32> to vector<16xi32>
      %jit3A_660 = arith.constant 1 : i32
      %jit3A_661 = arith.constant 0 : i32
      %broadcast_in_dim3A_662 = vector.broadcast %jit3A_660 : i32 to vector<16xi32>
      %broadcast_in_dim3A_663 = vector.broadcast %jit3A_661 : i32 to vector<16xi32>
      %select_n3A_664 = arith.select %eq3A_656, %broadcast_in_dim3A_662, %broadcast_in_dim3A_663 : vector<16xi1>, vector<16xi32>
      %or3A_665 = arith.ori %get3A_659, %select_n3A_664 : vector<16xi32>
      %swap3A_666 = arith.constant 400 : index
      %swap3A_667 = tpu.vector_load %arg7[%swap3A_666] {strides = array<i32>} : memref<512xi32, #tpu.memory_space<vmem>>, vector<16xi32>,
      %swap3A_668 = vector.shape_cast %swap3A_667 : vector<16xi32> to vector<16xi32>
      %swap3A_669 = vector.shape_cast %or3A_665 : vector<16xi32> to vector<16xi32>
      tpu.vector_store %arg7[%swap3A_666], %swap3A_669 {strides = array<i32>} : memref<512xi32, #tpu.memory_space<vmem>>, vector<16xi32>,
      %get3A_670 = arith.index_cast %scan3A_201 : i32 to index
      %get3A_671 = arith.constant 416 : index
      %get3A_672 = tpu.vector_load %arg5[%get3A_670, %get3A_671] {strides = array<i32>} : memref<16x512xf32, #tpu.memory_space<vmem>>, vector<1x16xf32>,
      %get3A_673 = vector.shape_cast %get3A_672 : vector<1x16xf32> to vector<16xf32>
      %eq3A_674 = arith.cmpf oeq, %get3A_673, %get3A_205 : vector<16xf32>
      %get3A_675 = arith.constant 416 : index
      %get3A_676 = tpu.vector_load %arg7[%get3A_675] {strides = array<i32>} : memref<512xi32, #tpu.memory_space<vmem>>, vector<16xi32>,
      %get3A_677 = vector.shape_cast %get3A_676 : vector<16xi32> to vector<16xi32>
      %jit3A_678 = arith.constant 1 : i32
      %jit3A_679 = arith.constant 0 : i32
      %broadcast_in_dim3A_680 = vector.broadcast %jit3A_678 : i32 to vector<16xi32>
      %broadcast_in_dim3A_681 = vector.broadcast %jit3A_679 : i32 to vector<16xi32>
      %select_n3A_682 = arith.select %eq3A_674, %broadcast_in_dim3A_680, %broadcast_in_dim3A_681 : vector<16xi1>, vector<16xi32>
      %or3A_683 = arith.ori %get3A_677, %select_n3A_682 : vector<16xi32>
      %swap3A_684 = arith.constant 416 : index
      %swap3A_685 = tpu.vector_load %arg7[%swap3A_684] {strides = array<i32>} : memref<512xi32, #tpu.memory_space<vmem>>, vector<16xi32>,
      %swap3A_686 = vector.shape_cast %swap3A_685 : vector<16xi32> to vector<16xi32>
      %swap3A_687 = vector.shape_cast %or3A_683 : vector<16xi32> to vector<16xi32>
      tpu.vector_store %arg7[%swap3A_684], %swap3A_687 {strides = array<i32>} : memref<512xi32, #tpu.memory_space<vmem>>, vector<16xi32>,
      %get3A_688 = arith.index_cast %scan3A_201 : i32 to index
      %get3A_689 = arith.constant 432 : index
      %get3A_690 = tpu.vector_load %arg5[%get3A_688, %get3A_689] {strides = array<i32>} : memref<16x512xf32, #tpu.memory_space<vmem>>, vector<1x16xf32>,
      %get3A_691 = vector.shape_cast %get3A_690 : vector<1x16xf32> to vector<16xf32>
      %eq3A_692 = arith.cmpf oeq, %get3A_691, %get3A_205 : vector<16xf32>
      %get3A_693 = arith.constant 432 : index
      %get3A_694 = tpu.vector_load %arg7[%get3A_693] {strides = array<i32>} : memref<512xi32, #tpu.memory_space<vmem>>, vector<16xi32>,
      %get3A_695 = vector.shape_cast %get3A_694 : vector<16xi32> to vector<16xi32>
      %jit3A_696 = arith.constant 1 : i32
      %jit3A_697 = arith.constant 0 : i32
      %broadcast_in_dim3A_698 = vector.broadcast %jit3A_696 : i32 to vector<16xi32>
      %broadcast_in_dim3A_699 = vector.broadcast %jit3A_697 : i32 to vector<16xi32>
      %select_n3A_700 = arith.select %eq3A_692, %broadcast_in_dim3A_698, %broadcast_in_dim3A_699 : vector<16xi1>, vector<16xi32>
      %or3A_701 = arith.ori %get3A_695, %select_n3A_700 : vector<16xi32>
      %swap3A_702 = arith.constant 432 : index
      %swap3A_703 = tpu.vector_load %arg7[%swap3A_702] {strides = array<i32>} : memref<512xi32, #tpu.memory_space<vmem>>, vector<16xi32>,
      %swap3A_704 = vector.shape_cast %swap3A_703 : vector<16xi32> to vector<16xi32>
      %swap3A_705 = vector.shape_cast %or3A_701 : vector<16xi32> to vector<16xi32>
      tpu.vector_store %arg7[%swap3A_702], %swap3A_705 {strides = array<i32>} : memref<512xi32, #tpu.memory_space<vmem>>, vector<16xi32>,
      %get3A_706 = arith.index_cast %scan3A_201 : i32 to index
      %get3A_707 = arith.constant 448 : index
      %get3A_708 = tpu.vector_load %arg5[%get3A_706, %get3A_707] {strides = array<i32>} : memref<16x512xf32, #tpu.memory_space<vmem>>, vector<1x16xf32>,
      %get3A_709 = vector.shape_cast %get3A_708 : vector<1x16xf32> to vector<16xf32>
      %eq3A_710 = arith.cmpf oeq, %get3A_709, %get3A_205 : vector<16xf32>
      %get3A_711 = arith.constant 448 : index
      %get3A_712 = tpu.vector_load %arg7[%get3A_711] {strides = array<i32>} : memref<512xi32, #tpu.memory_space<vmem>>, vector<16xi32>,
      %get3A_713 = vector.shape_cast %get3A_712 : vector<16xi32> to vector<16xi32>
      %jit3A_714 = arith.constant 1 : i32
      %jit3A_715 = arith.constant 0 : i32
      %broadcast_in_dim3A_716 = vector.broadcast %jit3A_714 : i32 to vector<16xi32>
      %broadcast_in_dim3A_717 = vector.broadcast %jit3A_715 : i32 to vector<16xi32>
      %select_n3A_718 = arith.select %eq3A_710, %broadcast_in_dim3A_716, %broadcast_in_dim3A_717 : vector<16xi1>, vector<16xi32>
      %or3A_719 = arith.ori %get3A_713, %select_n3A_718 : vector<16xi32>
      %swap3A_720 = arith.constant 448 : index
      %swap3A_721 = tpu.vector_load %arg7[%swap3A_720] {strides = array<i32>} : memref<512xi32, #tpu.memory_space<vmem>>, vector<16xi32>,
      %swap3A_722 = vector.shape_cast %swap3A_721 : vector<16xi32> to vector<16xi32>
      %swap3A_723 = vector.shape_cast %or3A_719 : vector<16xi32> to vector<16xi32>
      tpu.vector_store %arg7[%swap3A_720], %swap3A_723 {strides = array<i32>} : memref<512xi32, #tpu.memory_space<vmem>>, vector<16xi32>,
      %get3A_724 = arith.index_cast %scan3A_201 : i32 to index
      %get3A_725 = arith.constant 464 : index
      %get3A_726 = tpu.vector_load %arg5[%get3A_724, %get3A_725] {strides = array<i32>} : memref<16x512xf32, #tpu.memory_space<vmem>>, vector<1x16xf32>,
      %get3A_727 = vector.shape_cast %get3A_726 : vector<1x16xf32> to vector<16xf32>
      %eq3A_728 = arith.cmpf oeq, %get3A_727, %get3A_205 : vector<16xf32>
      %get3A_729 = arith.constant 464 : index
      %get3A_730 = tpu.vector_load %arg7[%get3A_729] {strides = array<i32>} : memref<512xi32, #tpu.memory_space<vmem>>, vector<16xi32>,
      %get3A_731 = vector.shape_cast %get3A_730 : vector<16xi32> to vector<16xi32>
      %jit3A_732 = arith.constant 1 : i32
      %jit3A_733 = arith.constant 0 : i32
      %broadcast_in_dim3A_734 = vector.broadcast %jit3A_732 : i32 to vector<16xi32>
      %broadcast_in_dim3A_735 = vector.broadcast %jit3A_733 : i32 to vector<16xi32>
      %select_n3A_736 = arith.select %eq3A_728, %broadcast_in_dim3A_734, %broadcast_in_dim3A_735 : vector<16xi1>, vector<16xi32>
      %or3A_737 = arith.ori %get3A_731, %select_n3A_736 : vector<16xi32>
      %swap3A_738 = arith.constant 464 : index
      %swap3A_739 = tpu.vector_load %arg7[%swap3A_738] {strides = array<i32>} : memref<512xi32, #tpu.memory_space<vmem>>, vector<16xi32>,
      %swap3A_740 = vector.shape_cast %swap3A_739 : vector<16xi32> to vector<16xi32>
      %swap3A_741 = vector.shape_cast %or3A_737 : vector<16xi32> to vector<16xi32>
      tpu.vector_store %arg7[%swap3A_738], %swap3A_741 {strides = array<i32>} : memref<512xi32, #tpu.memory_space<vmem>>, vector<16xi32>,
      %get3A_742 = arith.index_cast %scan3A_201 : i32 to index
      %get3A_743 = arith.constant 480 : index
      %get3A_744 = tpu.vector_load %arg5[%get3A_742, %get3A_743] {strides = array<i32>} : memref<16x512xf32, #tpu.memory_space<vmem>>, vector<1x16xf32>,
      %get3A_745 = vector.shape_cast %get3A_744 : vector<1x16xf32> to vector<16xf32>
      %eq3A_746 = arith.cmpf oeq, %get3A_745, %get3A_205 : vector<16xf32>
      %get3A_747 = arith.constant 480 : index
      %get3A_748 = tpu.vector_load %arg7[%get3A_747] {strides = array<i32>} : memref<512xi32, #tpu.memory_space<vmem>>, vector<16xi32>,
      %get3A_749 = vector.shape_cast %get3A_748 : vector<16xi32> to vector<16xi32>
      %jit3A_750 = arith.constant 1 : i32
      %jit3A_751 = arith.constant 0 : i32
      %broadcast_in_dim3A_752 = vector.broadcast %jit3A_750 : i32 to vector<16xi32>
      %broadcast_in_dim3A_753 = vector.broadcast %jit3A_751 : i32 to vector<16xi32>
      %select_n3A_754 = arith.select %eq3A_746, %broadcast_in_dim3A_752, %broadcast_in_dim3A_753 : vector<16xi1>, vector<16xi32>
      %or3A_755 = arith.ori %get3A_749, %select_n3A_754 : vector<16xi32>
      %swap3A_756 = arith.constant 480 : index
      %swap3A_757 = tpu.vector_load %arg7[%swap3A_756] {strides = array<i32>} : memref<512xi32, #tpu.memory_space<vmem>>, vector<16xi32>,
      %swap3A_758 = vector.shape_cast %swap3A_757 : vector<16xi32> to vector<16xi32>
      %swap3A_759 = vector.shape_cast %or3A_755 : vector<16xi32> to vector<16xi32>
      tpu.vector_store %arg7[%swap3A_756], %swap3A_759 {strides = array<i32>} : memref<512xi32, #tpu.memory_space<vmem>>, vector<16xi32>,
      %get3A_760 = arith.index_cast %scan3A_201 : i32 to index
      %get3A_761 = arith.constant 496 : index
      %get3A_762 = tpu.vector_load %arg5[%get3A_760, %get3A_761] {strides = array<i32>} : memref<16x512xf32, #tpu.memory_space<vmem>>, vector<1x16xf32>,
      %get3A_763 = vector.shape_cast %get3A_762 : vector<1x16xf32> to vector<16xf32>
      %eq3A_764 = arith.cmpf oeq, %get3A_763, %get3A_205 : vector<16xf32>
      %get3A_765 = arith.constant 496 : index
      %get3A_766 = tpu.vector_load %arg7[%get3A_765] {strides = array<i32>} : memref<512xi32, #tpu.memory_space<vmem>>, vector<16xi32>,
      %get3A_767 = vector.shape_cast %get3A_766 : vector<16xi32> to vector<16xi32>
      %jit3A_768 = arith.constant 1 : i32
      %jit3A_769 = arith.constant 0 : i32
      %broadcast_in_dim3A_770 = vector.broadcast %jit3A_768 : i32 to vector<16xi32>
      %broadcast_in_dim3A_771 = vector.broadcast %jit3A_769 : i32 to vector<16xi32>
      %select_n3A_772 = arith.select %eq3A_764, %broadcast_in_dim3A_770, %broadcast_in_dim3A_771 : vector<16xi1>, vector<16xi32>
      %or3A_773 = arith.ori %get3A_767, %select_n3A_772 : vector<16xi32>
      %swap3A_774 = arith.constant 496 : index
      %swap3A_775 = tpu.vector_load %arg7[%swap3A_774] {strides = array<i32>} : memref<512xi32, #tpu.memory_space<vmem>>, vector<16xi32>,
      %swap3A_776 = vector.shape_cast %swap3A_775 : vector<16xi32> to vector<16xi32>
      %swap3A_777 = vector.shape_cast %or3A_773 : vector<16xi32> to vector<16xi32>
      tpu.vector_store %arg7[%swap3A_774], %swap3A_777 {strides = array<i32>} : memref<512xi32, #tpu.memory_space<vmem>>, vector<16xi32>,
      %scan3A_778 = arith.constant 0 : i32
      scf.yield %scan3A_778 : i32
    }
    %scan3A_198 = arith.constant 16 : i32
    %mul3A_199 = arith.constant 512 : i32
    %mul3A_200 = arith.muli %add3A, %mul3A_199 : i32
    "tpu.region"() ({
      %run_scoped3A = tpu.sem_alloc : memref<!tpu.dma_semaphore, #tpu.memory_space<semaphore_mem>>
      %dma_start3A = tpu.memref_slice %arg4[%mul3A_200] : memref<16384xi32, #tpu.memory_space<hbm>> -> memref<512xi32, #tpu.memory_space<hbm>>
      %dma_start3A_201 = tpu.memref_slice %arg4[%mul3A_200] : memref<16384xi32, #tpu.memory_space<hbm>> -> memref<512xi32, #tpu.memory_space<hbm>>
      tpu.enqueue_dma source(%arg7 : memref<512xi32, #tpu.memory_space<vmem>>) target(%dma_start3A_201 : memref<512xi32, #tpu.memory_space<hbm>>) target_semaphore(%run_scoped3A : memref<!tpu.dma_semaphore, #tpu.memory_space<semaphore_mem>>)
      %dma_wait3A = tpu.memref_slice %arg4[%mul3A_200] : memref<16384xi32, #tpu.memory_space<hbm>> -> memref<512xi32, #tpu.memory_space<hbm>>
      %dma_wait3A_202 = tpu.memref_slice %arg4[%mul3A_200] : memref<16384xi32, #tpu.memory_space<hbm>> -> memref<512xi32, #tpu.memory_space<hbm>>
      tpu.wait_dma2 semaphore(%run_scoped3A : memref<!tpu.dma_semaphore, #tpu.memory_space<semaphore_mem>>) src(%arg7 : memref<512xi32, #tpu.memory_space<vmem>>) dst(%dma_wait3A_202 : memref<512xi32, #tpu.memory_space<hbm>>)
      tpu.yield
    }) : () -> ()
    return
  }
}

module attributes {stable_mosaic.version = 14 : i64} {
  func.func @_stage2_kernel(%arg0: memref<256x256xf32, #tpu.memory_space<vmem>>, %arg1: memref<256x256xf32, #tpu.memory_space<vmem>>, %arg2: memref<8x256xf32, #tpu.memory_space<vmem>>, %arg3: memref<32x512xi32, #tpu.memory_space<vmem>>, %arg4: memref<1x1xf32, #tpu.memory_space<vmem>>) attributes {dimension_semantics = [], scalar_prefetch = 0 : i64, scratch_operands = 0 : i64, tpu.core_type = #tpu.core_type<tc>} {
    %get3A = arith.constant 0 : index
    %get3A_0 = arith.constant 0 : index
    %get3A_1 = vector.load %arg0[%get3A, %get3A_0] : memref<256x256xf32, #tpu.memory_space<vmem>>, vector<256x256xf32>
    %get3A_2 = arith.constant 0 : index
    %get3A_3 = arith.constant 0 : index
    %get3A_4 = vector.load %arg1[%get3A_2, %get3A_3] : memref<256x256xf32, #tpu.memory_space<vmem>>, vector<256x256xf32>
    %get3A_5 = arith.constant 0 : index
    %get3A_6 = arith.constant 0 : index
    %get3A_7 = vector.load %arg2[%get3A_5, %get3A_6] : memref<8x256xf32, #tpu.memory_space<vmem>>, vector<1x256xf32>
    %transpose3A = tpu.transpose %get3A_7, [1, 0] : vector<1x256xf32> -> vector<256x1xf32>
    %get3A_8 = arith.constant 1 : index
    %get3A_9 = arith.constant 0 : index
    %get3A_10 = vector.load %arg2[%get3A_8, %get3A_9] : memref<8x256xf32, #tpu.memory_space<vmem>>, vector<1x256xf32>
    %get3A_11 = arith.constant 2 : index
    %get3A_12 = arith.constant 0 : index
    %get3A_13 = vector.load %arg2[%get3A_11, %get3A_12] : memref<8x256xf32, #tpu.memory_space<vmem>>, vector<1x256xf32>
    %get3A_14 = arith.constant 3 : index
    %get3A_15 = arith.constant 0 : index
    %get3A_16 = vector.load %arg2[%get3A_14, %get3A_15] : memref<8x256xf32, #tpu.memory_space<vmem>>, vector<1x256xf32>
    %transpose3A_17 = tpu.transpose %get3A_16, [1, 0] : vector<1x256xf32> -> vector<256x1xf32>
    %get3A_18 = arith.constant 4 : index
    %get3A_19 = arith.constant 0 : index
    %get3A_20 = vector.load %arg2[%get3A_18, %get3A_19] : memref<8x256xf32, #tpu.memory_space<vmem>>, vector<1x1xf32>
    %get3A_21 = arith.constant 0 : index
    %get3A_22 = arith.constant 0 : index
    %get3A_23 = vector.load %arg3[%get3A_21, %get3A_22] : memref<32x512xi32, #tpu.memory_space<vmem>>, vector<32x512xi32>
    %gt3A = arith.constant 0 : i32
    %gt3A_24 = vector.broadcast %gt3A : i32 to vector<32x512xi32>
    %gt3A_25 = arith.cmpi sgt, %get3A_23, %gt3A_24 : vector<32x512xi32>
    %reduce_or3A = arith.constant 1.000000e+00 : f32
    %reduce_or3A_26 = arith.constant 0.000000e+00 : f32
    %reduce_or3A_27 = vector.broadcast %reduce_or3A : f32 to vector<32x512xf32>
    %reduce_or3A_28 = vector.broadcast %reduce_or3A_26 : f32 to vector<32x512xf32>
    %reduce_or3A_29 = arith.select %gt3A_25, %reduce_or3A_27, %reduce_or3A_28 : vector<32x512xi1>, vector<32x512xf32>
    %reduce_or3A_30 = arith.constant dense<0xFF800000> : vector<512xf32>
    %reduce_or3A_31 = vector.multi_reduction <maximumf>, %reduce_or3A_29, %reduce_or3A_30 [0] : vector<32x512xf32> to vector<512xf32>
    %reduce_or3A_32 = arith.constant 0.000000e+00 : f32
    %reduce_or3A_33 = vector.broadcast %reduce_or3A_32 : f32 to vector<512xf32>
    %reduce_or3A_34 = arith.cmpf ogt, %reduce_or3A_31, %reduce_or3A_33 : vector<512xf32>
    %broadcast_in_dim3A = vector.shape_cast %reduce_or3A_34 : vector<512xi1> to vector<1x512xi1>
    %slice3A = vector.extract_strided_slice %broadcast_in_dim3A {offsets = [0, 0], sizes = [1, 256], strides = [1, 1]} : vector<1x512xi1> to vector<1x256xi1>
    %slice3A_35 = vector.extract_strided_slice %broadcast_in_dim3A {offsets = [0, 256], sizes = [1, 256], strides = [1, 1]} : vector<1x512xi1> to vector<1x256xi1>
    %add3A = vector.broadcast %transpose3A : vector<256x1xf32> to vector<256x256xf32>
    %add3A_36 = vector.broadcast %get3A_10 : vector<1x256xf32> to vector<256x256xf32>
    %add3A_37 = arith.addf %add3A, %add3A_36 : vector<256x256xf32>
    %mul3A = arith.constant 2.000000e+00 : f32
    %mul3A_38 = vector.broadcast %mul3A : f32 to vector<256x256xf32>
    %mul3A_39 = arith.mulf %mul3A_38, %get3A_1 : vector<256x256xf32>
    %sub3A = arith.subf %add3A_37, %mul3A_39 : vector<256x256xf32>
    %add3A_40 = vector.broadcast %transpose3A : vector<256x1xf32> to vector<256x256xf32>
    %add3A_41 = vector.broadcast %get3A_13 : vector<1x256xf32> to vector<256x256xf32>
    %add3A_42 = arith.addf %add3A_40, %add3A_41 : vector<256x256xf32>
    %mul3A_43 = arith.constant 2.000000e+00 : f32
    %mul3A_44 = vector.broadcast %mul3A_43 : f32 to vector<256x256xf32>
    %mul3A_45 = arith.mulf %mul3A_44, %get3A_4 : vector<256x256xf32>
    %sub3A_46 = arith.subf %add3A_42, %mul3A_45 : vector<256x256xf32>
    %jit3A = arith.constant 3.400000e+38 : f32
    %broadcast_in_dim3A_47 = vector.shape_cast %slice3A : vector<1x256xi1> to vector<1x256xi1>
    %broadcast_in_dim3A_48 = vector.broadcast %broadcast_in_dim3A_47 : vector<1x256xi1> to vector<256x256xi1>
    %broadcast_in_dim3A_49 = vector.broadcast %jit3A : f32 to vector<256x256xf32>
    %select_n3A = arith.select %broadcast_in_dim3A_48, %sub3A, %broadcast_in_dim3A_49 : vector<256x256xi1>, vector<256x256xf32>
    %reduce_min3A = arith.constant dense<0x7F800000> : vector<256xf32>
    %reduce_min3A_50 = vector.multi_reduction <minimumf>, %select_n3A, %reduce_min3A [1] : vector<256x256xf32> to vector<256xf32>
    %broadcast_in_dim3A_51 = vector.shape_cast %reduce_min3A_50 : vector<256xf32> to vector<256x1xf32>
    %jit3A_52 = arith.constant 3.400000e+38 : f32
    %broadcast_in_dim3A_53 = vector.shape_cast %slice3A_35 : vector<1x256xi1> to vector<1x256xi1>
    %broadcast_in_dim3A_54 = vector.broadcast %broadcast_in_dim3A_53 : vector<1x256xi1> to vector<256x256xi1>
    %broadcast_in_dim3A_55 = vector.broadcast %jit3A_52 : f32 to vector<256x256xf32>
    %select_n3A_56 = arith.select %broadcast_in_dim3A_54, %sub3A_46, %broadcast_in_dim3A_55 : vector<256x256xi1>, vector<256x256xf32>
    %reduce_min3A_57 = arith.constant dense<0x7F800000> : vector<256xf32>
    %reduce_min3A_58 = vector.multi_reduction <minimumf>, %select_n3A_56, %reduce_min3A_57 [1] : vector<256x256xf32> to vector<256xf32>
    %broadcast_in_dim3A_59 = vector.shape_cast %reduce_min3A_58 : vector<256xf32> to vector<256x1xf32>
    %min3A = arith.minimumf %broadcast_in_dim3A_51, %broadcast_in_dim3A_59 : vector<256x1xf32>
    %max3A = arith.constant 0.000000e+00 : f32
    %max3A_60 = vector.broadcast %max3A : f32 to vector<256x1xf32>
    %max3A_61 = arith.maximumf %min3A, %max3A_60 : vector<256x1xf32>
    %sqrt3A = math.sqrt %max3A_61 : vector<256x1xf32>
    %sub3A_62 = arith.subf %transpose3A_17, %sqrt3A : vector<256x1xf32>
    %add3A_63 = arith.constant 1.000000e+00 : f32
    %add3A_64 = vector.broadcast %add3A_63 : f32 to vector<256x1xf32>
    %add3A_65 = arith.addf %sub3A_62, %add3A_64 : vector<256x1xf32>
    %max3A_66 = arith.constant 0.000000e+00 : f32
    %max3A_67 = vector.broadcast %max3A_66 : f32 to vector<256x1xf32>
    %max3A_68 = arith.maximumf %add3A_65, %max3A_67 : vector<256x1xf32>
    %reduce_sum3A = vector.shape_cast %max3A_68 : vector<256x1xf32> to vector<1x256x1xf32>
    %reduce_sum3A_69 = arith.constant dense<0.000000e+00> : vector<1xf32>
    %reduce_sum3A_70 = vector.multi_reduction <add>, %reduce_sum3A, %reduce_sum3A_69 [1, 2] : vector<1x256x1xf32> to vector<1xf32>
    %reduce_sum3A_71 = vector.shape_cast %reduce_sum3A_70 : vector<1xf32> to vector<1x1x1xf32>
    %reduce_sum3A_72 = vector.extract %reduce_sum3A_71[0, 0, 0] : f32 from vector<1x1x1xf32>
    %broadcast_in_dim3A_73 = vector.broadcast %reduce_sum3A_72 : f32 to vector<1x1xf32>
    %div3A = arith.constant 2.560000e+02 : f32
    %div3A_74 = vector.broadcast %div3A : f32 to vector<1x1xf32>
    %div3A_75 = arith.divf %broadcast_in_dim3A_73, %div3A_74 : vector<1x1xf32>
    %mul3A_76 = arith.constant 5.000000e-01 : f32
    %mul3A_77 = vector.broadcast %mul3A_76 : f32 to vector<1x1xf32>
    %mul3A_78 = arith.mulf %mul3A_77, %get3A_20 : vector<1x1xf32>
    %add3A_79 = arith.addf %div3A_75, %mul3A_78 : vector<1x1xf32>
    %swap3A = arith.constant 0 : index
    %swap3A_80 = arith.constant 0 : index
    %swap3A_81 = vector.load %arg4[%swap3A, %swap3A_80] : memref<1x1xf32, #tpu.memory_space<vmem>>, vector<1x1xf32>
    tpu.vector_store %arg4[%swap3A, %swap3A_80], %add3A_79 {strides = array<i32>} : memref<1x1xf32, #tpu.memory_space<vmem>>, vector<1x1xf32>,
    return
  }
}

module attributes {stable_mosaic.version = 14 : i64} {
  func.func @_stage1_kernel(%arg0: memref<256x512xf32, #tpu.memory_space<vmem>>, %arg1: memref<256x512xf32, #tpu.memory_space<vmem>>, %arg2: memref<512x512xf32, #tpu.memory_space<vmem>>, %arg3: memref<512x128xf32, #tpu.memory_space<vmem>>, %arg4: memref<256x256xf32, #tpu.memory_space<vmem>>, %arg5: memref<256x256xf32, #tpu.memory_space<vmem>>, %arg6: memref<8x256xf32, #tpu.memory_space<vmem>>) attributes {dimension_semantics = [], scalar_prefetch = 0 : i64, scratch_operands = 0 : i64, tpu.core_type = #tpu.core_type<tc>} {
    %get3A = arith.constant 0 : index
    %get3A_0 = arith.constant 0 : index
    %get3A_1 = vector.load %arg0[%get3A, %get3A_0] : memref<256x512xf32, #tpu.memory_space<vmem>>, vector<256x512xf32>
    %get3A_2 = arith.constant 0 : index
    %get3A_3 = arith.constant 0 : index
    %get3A_4 = vector.load %arg1[%get3A_2, %get3A_3] : memref<256x512xf32, #tpu.memory_space<vmem>>, vector<256x512xf32>
    %broadcast_in_dim3A = arith.constant 1.000000e+00 : f32
    %broadcast_in_dim3A_5 = vector.broadcast %broadcast_in_dim3A : f32 to vector<512x1xf32>
    %mul3A = arith.mulf %get3A_1, %get3A_1 : vector<256x512xf32>
    %dot_general3A = arith.constant dense<0.000000e+00> : vector<256x1xf32>
    %dot_general3A_6 = tpu.matmul %mul3A, %broadcast_in_dim3A_5, %dot_general3A {dimension_numbers = #tpu.dot_dimension_numbers<[1], [0], [0], [1], [0, 0, 1, 1], [], []>, transpose_lhs_hint = false} : vector<256x512xf32>, vector<512x1xf32>, vector<256x1xf32> -> vector<256x1xf32>
    %mul3A_7 = arith.mulf %get3A_4, %get3A_4 : vector<256x512xf32>
    %dot_general3A_8 = arith.constant dense<0.000000e+00> : vector<256x1xf32>
    %dot_general3A_9 = tpu.matmul %mul3A_7, %broadcast_in_dim3A_5, %dot_general3A_8 {dimension_numbers = #tpu.dot_dimension_numbers<[1], [0], [0], [1], [0, 0, 1, 1], [], []>, transpose_lhs_hint = false} : vector<256x512xf32>, vector<512x1xf32>, vector<256x1xf32> -> vector<256x1xf32>
    %dot_general3A_10 = arith.constant dense<0.000000e+00> : vector<256x1xf32>
    %dot_general3A_11 = tpu.matmul %get3A_1, %broadcast_in_dim3A_5, %dot_general3A_10 {dimension_numbers = #tpu.dot_dimension_numbers<[1], [0], [0], [1], [0, 0, 1, 1], [], []>, transpose_lhs_hint = false} : vector<256x512xf32>, vector<512x1xf32>, vector<256x1xf32> -> vector<256x1xf32>
    %dot_general3A_12 = arith.constant dense<0.000000e+00> : vector<256x1xf32>
    %dot_general3A_13 = tpu.matmul %get3A_4, %broadcast_in_dim3A_5, %dot_general3A_12 {dimension_numbers = #tpu.dot_dimension_numbers<[1], [0], [0], [1], [0, 0, 1, 1], [], []>, transpose_lhs_hint = false} : vector<256x512xf32>, vector<512x1xf32>, vector<256x1xf32> -> vector<256x1xf32>
    %sqrt3A = math.sqrt %dot_general3A_6 : vector<256x1xf32>
    %max3A = arith.constant 9.99999996E-13 : f32
    %max3A_14 = vector.broadcast %max3A : f32 to vector<256x1xf32>
    %max3A_15 = arith.maximumf %sqrt3A, %max3A_14 : vector<256x1xf32>
    %div3A = arith.constant 1.000000e+00 : f32
    %div3A_16 = vector.broadcast %div3A : f32 to vector<256x1xf32>
    %div3A_17 = arith.divf %div3A_16, %max3A_15 : vector<256x1xf32>
    %sqrt3A_18 = math.sqrt %dot_general3A_9 : vector<256x1xf32>
    %max3A_19 = arith.constant 9.99999996E-13 : f32
    %max3A_20 = vector.broadcast %max3A_19 : f32 to vector<256x1xf32>
    %max3A_21 = arith.maximumf %sqrt3A_18, %max3A_20 : vector<256x1xf32>
    %div3A_22 = arith.constant 1.000000e+00 : f32
    %div3A_23 = vector.broadcast %div3A_22 : f32 to vector<256x1xf32>
    %div3A_24 = arith.divf %div3A_23, %max3A_21 : vector<256x1xf32>
    %mul3A_25 = vector.broadcast %div3A_17 : vector<256x1xf32> to vector<256x512xf32>
    %mul3A_26 = arith.mulf %get3A_1, %mul3A_25 : vector<256x512xf32>
    %mul3A_27 = vector.broadcast %div3A_24 : vector<256x1xf32> to vector<256x512xf32>
    %mul3A_28 = arith.mulf %get3A_4, %mul3A_27 : vector<256x512xf32>
    %dot_general3A_29 = arith.constant dense<0.000000e+00> : vector<256x256xf32>
    %dot_general3A_30 = tpu.matmul %mul3A_26, %mul3A_26, %dot_general3A_29 {dimension_numbers = #tpu.dot_dimension_numbers<[1], [1], [0], [0], [0, 0, 1, 0], [], []>, transpose_lhs_hint = false} : vector<256x512xf32>, vector<256x512xf32>, vector<256x256xf32> -> vector<256x256xf32>
    %dot_general3A_31 = arith.constant dense<0.000000e+00> : vector<256x256xf32>
    %dot_general3A_32 = tpu.matmul %mul3A_26, %mul3A_28, %dot_general3A_31 {dimension_numbers = #tpu.dot_dimension_numbers<[1], [1], [0], [0], [0, 0, 1, 0], [], []>, transpose_lhs_hint = false} : vector<256x512xf32>, vector<256x512xf32>, vector<256x256xf32> -> vector<256x256xf32>
    %dot_general3A_33 = arith.constant dense<0.000000e+00> : vector<256x256xf32>
    %dot_general3A_34 = tpu.matmul %mul3A_28, %mul3A_28, %dot_general3A_33 {dimension_numbers = #tpu.dot_dimension_numbers<[1], [1], [0], [0], [0, 0, 1, 0], [], []>, transpose_lhs_hint = false} : vector<256x512xf32>, vector<256x512xf32>, vector<256x256xf32> -> vector<256x256xf32>
    %iota3A = tpu.iota {dimensions = array<i32: 0>} : vector<256x256xi32>
    %iota3A_35 = tpu.iota {dimensions = array<i32: 1>} : vector<256x256xi32>
    %eq3A = arith.cmpi eq, %iota3A, %iota3A_35 : vector<256x256xi32>
    %jit3A = arith.constant 0.000000e+00 : f32
    %broadcast_in_dim3A_36 = vector.broadcast %jit3A : f32 to vector<256x256xf32>
    %select_n3A = arith.select %eq3A, %broadcast_in_dim3A_36, %dot_general3A_30 : vector<256x256xi1>, vector<256x256xf32>
    %jit3A_37 = arith.constant 0.000000e+00 : f32
    %broadcast_in_dim3A_38 = vector.broadcast %jit3A_37 : f32 to vector<256x256xf32>
    %select_n3A_39 = arith.select %eq3A, %broadcast_in_dim3A_38, %dot_general3A_32 : vector<256x256xi1>, vector<256x256xf32>
    %jit3A_40 = arith.constant 0.000000e+00 : f32
    %broadcast_in_dim3A_41 = vector.broadcast %jit3A_40 : f32 to vector<256x256xf32>
    %select_n3A_42 = arith.select %eq3A, %broadcast_in_dim3A_41, %dot_general3A_34 : vector<256x256xi1>, vector<256x256xf32>
    %swap3A = arith.constant 0 : index
    %swap3A_43 = arith.constant 0 : index
    %swap3A_44 = vector.load %arg2[%swap3A, %swap3A_43] : memref<512x512xf32, #tpu.memory_space<vmem>>, vector<256x256xf32>
    tpu.vector_store %arg2[%swap3A, %swap3A_43], %select_n3A {strides = array<i32>} : memref<512x512xf32, #tpu.memory_space<vmem>>, vector<256x256xf32>,
    %swap3A_45 = arith.constant 0 : index
    %swap3A_46 = arith.constant 256 : index
    %swap3A_47 = vector.load %arg2[%swap3A_45, %swap3A_46] : memref<512x512xf32, #tpu.memory_space<vmem>>, vector<256x256xf32>
    tpu.vector_store %arg2[%swap3A_45, %swap3A_46], %select_n3A_39 {strides = array<i32>} : memref<512x512xf32, #tpu.memory_space<vmem>>, vector<256x256xf32>,
    %transpose3A = tpu.transpose %select_n3A_39, [1, 0] : vector<256x256xf32> -> vector<256x256xf32>
    %swap3A_48 = arith.constant 256 : index
    %swap3A_49 = arith.constant 0 : index
    %swap3A_50 = vector.load %arg2[%swap3A_48, %swap3A_49] : memref<512x512xf32, #tpu.memory_space<vmem>>, vector<256x256xf32>
    tpu.vector_store %arg2[%swap3A_48, %swap3A_49], %transpose3A {strides = array<i32>} : memref<512x512xf32, #tpu.memory_space<vmem>>, vector<256x256xf32>,
    %swap3A_51 = arith.constant 256 : index
    %swap3A_52 = arith.constant 256 : index
    %swap3A_53 = vector.load %arg2[%swap3A_51, %swap3A_52] : memref<512x512xf32, #tpu.memory_space<vmem>>, vector<256x256xf32>
    tpu.vector_store %arg2[%swap3A_51, %swap3A_52], %select_n3A_42 {strides = array<i32>} : memref<512x512xf32, #tpu.memory_space<vmem>>, vector<256x256xf32>,
    %swap3A_54 = arith.constant 0 : index
    %swap3A_55 = arith.constant 0 : index
    %swap3A_56 = vector.load %arg4[%swap3A_54, %swap3A_55] : memref<256x256xf32, #tpu.memory_space<vmem>>, vector<256x256xf32>
    tpu.vector_store %arg4[%swap3A_54, %swap3A_55], %dot_general3A_30 {strides = array<i32>} : memref<256x256xf32, #tpu.memory_space<vmem>>, vector<256x256xf32>,
    %swap3A_57 = arith.constant 0 : index
    %swap3A_58 = arith.constant 0 : index
    %swap3A_59 = vector.load %arg5[%swap3A_57, %swap3A_58] : memref<256x256xf32, #tpu.memory_space<vmem>>, vector<256x256xf32>
    tpu.vector_store %arg5[%swap3A_57, %swap3A_58], %dot_general3A_32 {strides = array<i32>} : memref<256x256xf32, #tpu.memory_space<vmem>>, vector<256x256xf32>,
    %transpose3A_60 = tpu.transpose %select_n3A_39, [1, 0] : vector<256x256xf32> -> vector<256x256xf32>
    %reduce_max3A = arith.constant dense<0xFF800000> : vector<256xf32>
    %reduce_max3A_61 = vector.multi_reduction <maximumf>, %select_n3A, %reduce_max3A [1] : vector<256x256xf32> to vector<256xf32>
    %broadcast_in_dim3A_62 = vector.shape_cast %reduce_max3A_61 : vector<256xf32> to vector<256x1xf32>
    %reduce_max3A_63 = arith.constant dense<0xFF800000> : vector<256xf32>
    %reduce_max3A_64 = vector.multi_reduction <maximumf>, %select_n3A_39, %reduce_max3A_63 [1] : vector<256x256xf32> to vector<256xf32>
    %broadcast_in_dim3A_65 = vector.shape_cast %reduce_max3A_64 : vector<256xf32> to vector<256x1xf32>
    %max3A_66 = arith.maximumf %broadcast_in_dim3A_62, %broadcast_in_dim3A_65 : vector<256x1xf32>
    %reduce_max3A_67 = arith.constant dense<0xFF800000> : vector<256xf32>
    %reduce_max3A_68 = vector.multi_reduction <maximumf>, %transpose3A_60, %reduce_max3A_67 [1] : vector<256x256xf32> to vector<256xf32>
    %broadcast_in_dim3A_69 = vector.shape_cast %reduce_max3A_68 : vector<256xf32> to vector<256x1xf32>
    %reduce_max3A_70 = arith.constant dense<0xFF800000> : vector<256xf32>
    %reduce_max3A_71 = vector.multi_reduction <maximumf>, %select_n3A_42, %reduce_max3A_70 [1] : vector<256x256xf32> to vector<256xf32>
    %broadcast_in_dim3A_72 = vector.shape_cast %reduce_max3A_71 : vector<256xf32> to vector<256x1xf32>
    %max3A_73 = arith.maximumf %broadcast_in_dim3A_69, %broadcast_in_dim3A_72 : vector<256x1xf32>
    %broadcast_in_dim3A_74 = vector.shape_cast %max3A_66 : vector<256x1xf32> to vector<256x1xf32>
    %broadcast_in_dim3A_75 = vector.broadcast %broadcast_in_dim3A_74 : vector<256x1xf32> to vector<256x128xf32>
    %swap3A_76 = arith.constant 0 : index
    %swap3A_77 = arith.constant 0 : index
    %swap3A_78 = vector.load %arg3[%swap3A_76, %swap3A_77] : memref<512x128xf32, #tpu.memory_space<vmem>>, vector<256x128xf32>
    tpu.vector_store %arg3[%swap3A_76, %swap3A_77], %broadcast_in_dim3A_75 {strides = array<i32>} : memref<512x128xf32, #tpu.memory_space<vmem>>, vector<256x128xf32>,
    %broadcast_in_dim3A_79 = vector.shape_cast %max3A_73 : vector<256x1xf32> to vector<256x1xf32>
    %broadcast_in_dim3A_80 = vector.broadcast %broadcast_in_dim3A_79 : vector<256x1xf32> to vector<256x128xf32>
    %swap3A_81 = arith.constant 256 : index
    %swap3A_82 = arith.constant 0 : index
    %swap3A_83 = vector.load %arg3[%swap3A_81, %swap3A_82] : memref<512x128xf32, #tpu.memory_space<vmem>>, vector<256x128xf32>
    tpu.vector_store %arg3[%swap3A_81, %swap3A_82], %broadcast_in_dim3A_80 {strides = array<i32>} : memref<512x128xf32, #tpu.memory_space<vmem>>, vector<256x128xf32>,
    %add3A = arith.constant 128 : i32
    %add3A_84 = vector.broadcast %add3A : i32 to vector<256x256xi32>
    %add3A_85 = arith.addi %iota3A, %add3A_84 : vector<256x256xi32>
    %eq3A_86 = arith.cmpi eq, %iota3A_35, %add3A_85 : vector<256x256xi32>
    %lt3A = arith.constant 128 : i32
    %lt3A_87 = vector.broadcast %lt3A : i32 to vector<256x256xi32>
    %lt3A_88 = arith.cmpi slt, %iota3A, %lt3A_87 : vector<256x256xi32>
    %and3A = arith.andi %eq3A_86, %lt3A_88 : vector<256x256xi1>
    %sub3A = arith.constant 128 : i32
    %sub3A_89 = vector.broadcast %sub3A : i32 to vector<256x256xi32>
    %sub3A_90 = arith.subi %iota3A, %sub3A_89 : vector<256x256xi32>
    %eq3A_91 = arith.cmpi eq, %iota3A_35, %sub3A_90 : vector<256x256xi32>
    %ge3A = arith.constant 128 : i32
    %ge3A_92 = vector.broadcast %ge3A : i32 to vector<256x256xi32>
    %ge3A_93 = arith.cmpi sge, %iota3A, %ge3A_92 : vector<256x256xi32>
    %and3A_94 = arith.andi %eq3A_91, %ge3A_93 : vector<256x256xi1>
    %or3A = arith.ori %and3A, %and3A_94 : vector<256x256xi1>
    %jit3A_95 = arith.constant 0.000000e+00 : f32
    %broadcast_in_dim3A_96 = vector.broadcast %jit3A_95 : f32 to vector<256x256xf32>
    %select_n3A_97 = arith.select %or3A, %dot_general3A_30, %broadcast_in_dim3A_96 : vector<256x256xi1>, vector<256x256xf32>
    %reduce_sum3A = vector.shape_cast %select_n3A_97 : vector<256x256xf32> to vector<1x256x256xf32>
    %reduce_sum3A_98 = arith.constant dense<0.000000e+00> : vector<1xf32>
    %reduce_sum3A_99 = vector.multi_reduction <add>, %reduce_sum3A, %reduce_sum3A_98 [1, 2] : vector<1x256x256xf32> to vector<1xf32>
    %reduce_sum3A_100 = vector.shape_cast %reduce_sum3A_99 : vector<1xf32> to vector<1x1x1xf32>
    %reduce_sum3A_101 = vector.extract %reduce_sum3A_100[0, 0, 0] : f32 from vector<1x1x1xf32>
    %broadcast_in_dim3A_102 = vector.broadcast %reduce_sum3A_101 : f32 to vector<1x1xf32>
    %reduce_sum3A_103 = vector.shape_cast %max3A_66 : vector<256x1xf32> to vector<1x256x1xf32>
    %reduce_sum3A_104 = arith.constant dense<0.000000e+00> : vector<1xf32>
    %reduce_sum3A_105 = vector.multi_reduction <add>, %reduce_sum3A_103, %reduce_sum3A_104 [1, 2] : vector<1x256x1xf32> to vector<1xf32>
    %reduce_sum3A_106 = vector.shape_cast %reduce_sum3A_105 : vector<1xf32> to vector<1x1x1xf32>
    %reduce_sum3A_107 = vector.extract %reduce_sum3A_106[0, 0, 0] : f32 from vector<1x1x1xf32>
    %broadcast_in_dim3A_108 = vector.broadcast %reduce_sum3A_107 : f32 to vector<1x1xf32>
    %reduce_sum3A_109 = vector.shape_cast %max3A_73 : vector<256x1xf32> to vector<1x256x1xf32>
    %reduce_sum3A_110 = arith.constant dense<0.000000e+00> : vector<1xf32>
    %reduce_sum3A_111 = vector.multi_reduction <add>, %reduce_sum3A_109, %reduce_sum3A_110 [1, 2] : vector<1x256x1xf32> to vector<1xf32>
    %reduce_sum3A_112 = vector.shape_cast %reduce_sum3A_111 : vector<1xf32> to vector<1x1x1xf32>
    %reduce_sum3A_113 = vector.extract %reduce_sum3A_112[0, 0, 0] : f32 from vector<1x1x1xf32>
    %broadcast_in_dim3A_114 = vector.broadcast %reduce_sum3A_113 : f32 to vector<1x1xf32>
    %add3A_115 = arith.addf %broadcast_in_dim3A_108, %broadcast_in_dim3A_114 : vector<1x1xf32>
    %mul3A_116 = arith.constant 2.000000e+00 : f32
    %mul3A_117 = vector.broadcast %mul3A_116 : f32 to vector<1x1xf32>
    %mul3A_118 = arith.mulf %mul3A_117, %broadcast_in_dim3A_102 : vector<1x1xf32>
    %sub3A_119 = arith.subf %add3A_115, %mul3A_118 : vector<1x1xf32>
    %div3A_120 = arith.constant 1.536000e+02 : f32
    %div3A_121 = vector.broadcast %div3A_120 : f32 to vector<1x1xf32>
    %div3A_122 = arith.divf %sub3A_119, %div3A_121 : vector<1x1xf32>
    %mul3A_123 = arith.mulf %dot_general3A_6, %div3A_17 : vector<256x1xf32>
    %mul3A_124 = arith.mulf %mul3A_123, %div3A_17 : vector<256x1xf32>
    %mul3A_125 = arith.mulf %dot_general3A_9, %div3A_24 : vector<256x1xf32>
    %mul3A_126 = arith.mulf %mul3A_125, %div3A_24 : vector<256x1xf32>
    %mul3A_127 = arith.mulf %dot_general3A_11, %div3A_17 : vector<256x1xf32>
    %mul3A_128 = arith.mulf %dot_general3A_13, %div3A_24 : vector<256x1xf32>
    %mul3A_129 = arith.constant 2.000000e-06 : f32
    %mul3A_130 = vector.broadcast %mul3A_129 : f32 to vector<256x1xf32>
    %mul3A_131 = arith.mulf %mul3A_130, %mul3A_127 : vector<256x1xf32>
    %add3A_132 = arith.addf %mul3A_124, %mul3A_131 : vector<256x1xf32>
    %add3A_133 = arith.constant 5.120000e-10 : f32
    %add3A_134 = vector.broadcast %add3A_133 : f32 to vector<256x1xf32>
    %add3A_135 = arith.addf %add3A_132, %add3A_134 : vector<256x1xf32>
    %mul3A_136 = arith.constant 2.000000e-06 : f32
    %mul3A_137 = vector.broadcast %mul3A_136 : f32 to vector<256x1xf32>
    %mul3A_138 = arith.mulf %mul3A_137, %mul3A_127 : vector<256x1xf32>
    %sub3A_139 = arith.subf %mul3A_124, %mul3A_138 : vector<256x1xf32>
    %mul3A_140 = arith.constant 2.000000e-06 : f32
    %mul3A_141 = vector.broadcast %mul3A_140 : f32 to vector<256x1xf32>
    %mul3A_142 = arith.mulf %mul3A_141, %mul3A_128 : vector<256x1xf32>
    %sub3A_143 = arith.subf %mul3A_126, %mul3A_142 : vector<256x1xf32>
    %sub3A_144 = arith.subf %mul3A_26, %mul3A_28 : vector<256x512xf32>
    %add3A_145 = arith.constant 9.99999997E-7 : f32
    %add3A_146 = vector.broadcast %add3A_145 : f32 to vector<256x512xf32>
    %add3A_147 = arith.addf %sub3A_144, %add3A_146 : vector<256x512xf32>
    %mul3A_148 = arith.mulf %add3A_147, %add3A_147 : vector<256x512xf32>
    %dot_general3A_149 = arith.constant dense<0.000000e+00> : vector<256x1xf32>
    %dot_general3A_150 = tpu.matmul %mul3A_148, %broadcast_in_dim3A_5, %dot_general3A_149 {dimension_numbers = #tpu.dot_dimension_numbers<[1], [0], [0], [1], [0, 0, 1, 1], [], []>, transpose_lhs_hint = false} : vector<256x512xf32>, vector<512x1xf32>, vector<256x1xf32> -> vector<256x1xf32>
    %sqrt3A_151 = math.sqrt %dot_general3A_150 : vector<256x1xf32>
    %transpose3A_152 = tpu.transpose %add3A_135, [1, 0] : vector<256x1xf32> -> vector<1x256xf32>
    %swap3A_153 = arith.constant 0 : index
    %swap3A_154 = arith.constant 0 : index
    %swap3A_155 = vector.load %arg6[%swap3A_153, %swap3A_154] : memref<8x256xf32, #tpu.memory_space<vmem>>, vector<1x256xf32>
    tpu.vector_store %arg6[%swap3A_153, %swap3A_154], %transpose3A_152 {strides = array<i32>} : memref<8x256xf32, #tpu.memory_space<vmem>>, vector<1x256xf32>,
    %transpose3A_156 = tpu.transpose %sub3A_139, [1, 0] : vector<256x1xf32> -> vector<1x256xf32>
    %swap3A_157 = arith.constant 1 : index
    %swap3A_158 = arith.constant 0 : index
    %swap3A_159 = vector.load %arg6[%swap3A_157, %swap3A_158] : memref<8x256xf32, #tpu.memory_space<vmem>>, vector<1x256xf32>
    tpu.vector_store %arg6[%swap3A_157, %swap3A_158], %transpose3A_156 {strides = array<i32>} : memref<8x256xf32, #tpu.memory_space<vmem>>, vector<1x256xf32>,
    %transpose3A_160 = tpu.transpose %sub3A_143, [1, 0] : vector<256x1xf32> -> vector<1x256xf32>
    %swap3A_161 = arith.constant 2 : index
    %swap3A_162 = arith.constant 0 : index
    %swap3A_163 = vector.load %arg6[%swap3A_161, %swap3A_162] : memref<8x256xf32, #tpu.memory_space<vmem>>, vector<1x256xf32>
    tpu.vector_store %arg6[%swap3A_161, %swap3A_162], %transpose3A_160 {strides = array<i32>} : memref<8x256xf32, #tpu.memory_space<vmem>>, vector<1x256xf32>,
    %transpose3A_164 = tpu.transpose %sqrt3A_151, [1, 0] : vector<256x1xf32> -> vector<1x256xf32>
    %swap3A_165 = arith.constant 3 : index
    %swap3A_166 = arith.constant 0 : index
    %swap3A_167 = vector.load %arg6[%swap3A_165, %swap3A_166] : memref<8x256xf32, #tpu.memory_space<vmem>>, vector<1x256xf32>
    tpu.vector_store %arg6[%swap3A_165, %swap3A_166], %transpose3A_164 {strides = array<i32>} : memref<8x256xf32, #tpu.memory_space<vmem>>, vector<1x256xf32>,
    %broadcast_in_dim3A_168 = vector.shape_cast %div3A_122 : vector<1x1xf32> to vector<1x1xf32>
    %broadcast_in_dim3A_169 = vector.broadcast %broadcast_in_dim3A_168 : vector<1x1xf32> to vector<1x256xf32>
    %swap3A_170 = arith.constant 4 : index
    %swap3A_171 = arith.constant 0 : index
    %swap3A_172 = vector.load %arg6[%swap3A_170, %swap3A_171] : memref<8x256xf32, #tpu.memory_space<vmem>>, vector<1x256xf32>
    tpu.vector_store %arg6[%swap3A_170, %swap3A_171], %broadcast_in_dim3A_169 {strides = array<i32>} : memref<8x256xf32, #tpu.memory_space<vmem>>, vector<1x256xf32>,
    return
  }
}

</mosaic_0001>

<sc_bundles>
// kernel: kernel.5.cloned.1.call-start
scs
__scs_entry_jumppad:
0x0: {  	(pc) =	sbr.rel $0x88, $3  }
0x1: {  	(tag) =	ssettag $0x0;
	lr =	simm.s32 $0x1  }
0x2: {  	[smem:$0x3F9F] =	sst lr;
	_ =	strace $0xD0000000  }
0x3: {  	_ = 	snop  }
0x4: {  	_ = 	snop  }
0x5: {  	_ = 	snop  }
0x6: {  	_ = 	snop  }
0x7: {  	_ = 	snop  }
__scs_overlays_trampoline_lowered:
0x8: {  	[smem:$0x3FAE] =	sst s0  }
0x9: {  	[smem:$0x3FAF] =	sst s1  }
0xa: {  	[smem:$0x3FB0] =	sst s2  }
0xb: {  	[smem:$0x3FB1] =	sst s3  }
0xc: {  	[smem:$0x3FB2] =	sst s4  }
0xd: {  	[smem:$0x3FB3] =	sst s5  }
0xe: {  	[smem:$0x3FB4] =	sst s6  }
0xf: {  	[smem:$0x3FB5] =	sst s7  }
0x10: {  	[smem:$0x3FB6] =	sst s8  }
0x11: {  	[smem:$0x3FB7] =	sst s9;
	s0 =	simm.s32 @!p0 $0x0  }
0x12: {  	s1 =	sld [smem:$0x3F9D];
	s0 =	simm.s32 @p0 $0x1  }
0x13: {  	[smem:$0x3FB8] =	sst s0;
	s0 =	simm.s32 @!p1 $0x0  }
0x14: {  	s2 =	sld [smem:$0x3F9C];
	s0 =	simm.s32 @p1 $0x1  }
0x15: {  	[smem:$0x3FB9] =	sst s0;
	s0 =	simm.s32 @!p2 $0x0  }
0x16: {  	s3 =	sld [smem:$0x3FDB];
	s0 =	simm.s32 @p2 $0x1  }
0x17: {  	s4 =	simm.s32 $0x1BF5;
	[smem:$0x3FBB] =	sst s0  }
0x18: {  	s0 =	sld [smem:$0x3F9E];
	_ =	swait.ge [sflag:s4], $0x0  }
0x19: {  	s7 =	sld [smem:$0x3F9F]  }
0x1a: {  	s8 =	sadd.s32 $0xFFFFE003, lr  }
0x1b: {  	s9 =	sadd.s32 $0xFFFFFEF7, lr;
	s5 =	simm.s32 $0xFFFFFFFF;
	p2 =	slt.u32 s8, $0xFFFFF086  }
0x1c: {  	p1 =	slt.u32 s9, $0xF7A;
	s5 =	simm.s32 @!p2 $0x0  }
0x1d: {  	s5 =	simm.s32 @p1 $0x1;
	p0 =	seq.s32 s7, s2  }
0x1e: {  	s7 =	smul.u32 @!p0 $0xF7A, s2;
	p2 =	seq.s32 @!p0 s5, $0x0  }
0x1f: {  	s9 =	smul.u32 $0xF7A, s1;
	s8 =	simm.s32 @!p0 $0x1BF5;
	p2 =	por !p2, p0  }
0x20: {  	[sflag:s8] =	ssyncset.s32 @!p0 $0xFFFFF086;
	s6 =	sadd.s32 @!p0 s3, s7;
	s7 =	simm.s32 @!p0 $0x108  }
0x21: {  	s3 =	sadd.s32 s3, s9;
	s6 =	sadd.s32 @!p0 $0x88, s6;
	s7 =	simm.s32 @p2 $0x1082  }
0x22: {  	[simem:s7], [sflag:s8] =	dma.local @!p0 [hbm:s6], $0xF7A  }
0x23: {  	s9 =	sor.u32 $0xD0000000, s2;
	s6 =	simm.s32 $0x108;
	_ =	swait.ge @!p0 [sflag:s8], $0x0  }
0x24: {  	s3 =	sadd.s32 $0x88, s3;
	s6 =	simm.s32 @!p1 $0x1082;
	[sflag:s4] =	ssyncset.s32 $0xFFFFF086  }
0x25: {  	[simem:s6], [sflag:s4] =	dma.local [hbm:s3], $0xF7A  }
0x26: {  	[smem:$0x3F9F] =	sst s1;
	(tag) =	ssettag s2;
	_ =	strace s9  }
0x27: {  	s1 =	sld [smem:$0x3FAF]  }
0x28: {  	s2 =	sld [smem:$0x3FB0]  }
0x29: {  	s4 =	sld [smem:$0x3FB2]  }
0x2a: {  	p0 =	seq.s32 s5, $0x0;
	s5 =	sld [smem:$0x3FB3]  }
0x2b: {  	s6 =	sld [smem:$0x3FB4]  }
0x2c: {  	s7 =	sld [smem:$0x3FB5]  }
0x2d: {  	s3 =	simm.s32 $0x108;
	s8 =	sld [smem:$0x3FB6]  }
0x2e: {  	s3 =	simm.s32 @!p0 $0x1082;
	s9 =	sld [smem:$0x3FB7]  }
0x2f: {  	lr =	sadd.s32 s0, s3;
	s0 =	sld [smem:$0x3FAE]  }
0x30: {  	s3 =	sld [smem:$0x3FB1]  }
0x31: {  	[smem:$0x3FBA] =	sst s10  }
0x32: {  	s10 =	sld [smem:$0x3FB8];
	_ =	sdelay $0x3  }
0x33: {  	p0 =	seq.s32 s10, $0x1;
	s10 =	sld [smem:$0x3FBA];
	_ =	sdelay $0x3  }
0x34: {  	[smem:$0x3FBA] =	sst s10  }
0x35: {  	s10 =	sld [smem:$0x3FB9];
	_ =	sdelay $0x3  }
0x36: {  	p1 =	seq.s32 s10, $0x1;
	s10 =	sld [smem:$0x3FBA];
	_ =	sdelay $0x3  }
0x37: {  	[smem:$0x3FBA] =	sst s10  }
0x38: {  	s10 =	sld [smem:$0x3FBB]  }
0x39: {  	_ = 	snop;
	(pc) =	sbr.ind lr, $3  }
0x3a: {  	_ = 	snop  }
0x3b: {  	_ = 	snop  }
0x3c: {  	p2 =	seq.s32 s10, $0x1;
	s10 =	sld [smem:$0x3FBA]  }
0x3d: {  	_ =	shalt  }
0x3e: {  	_ =	shalt  }
0x3f: {  	_ =	shalt  }
0x40: {  	_ =	shalt  }
0x41: {  	_ =	shalt  }
0x42: {  	_ =	shalt  }
0x43: {  	_ =	shalt  }
0x44: {  	_ =	shalt  }
0x45: {  	_ =	shalt  }
0x46: {  	_ =	shalt  }
0x47: {  	_ =	shalt  }
0x48: {  	_ =	shalt  }
0x49: {  	_ =	shalt  }
0x4a: {  	_ =	shalt  }
0x4b: {  	_ =	shalt  }
0x4c: {  	_ =	shalt  }
0x4d: {  	_ =	shalt  }
0x4e: {  	_ =	shalt  }
0x4f: {  	_ =	shalt  }
0x50: {  	_ =	shalt  }
0x51: {  	_ =	shalt  }
0x52: {  	_ =	shalt  }
0x53: {  	_ =	shalt  }
0x54: {  	_ =	shalt  }
0x55: {  	_ =	shalt  }
0x56: {  	_ =	shalt  }
0x57: {  	_ =	shalt  }
0x58: {  	_ =	shalt  }
0x59: {  	_ =	shalt  }
0x5a: {  	_ =	shalt  }
0x5b: {  	_ =	shalt  }
0x5c: {  	_ =	shalt  }
0x5d: {  	_ =	shalt  }
0x5e: {  	_ =	shalt  }
0x5f: {  	_ =	shalt  }
0x60: {  	_ =	shalt  }
0x61: {  	_ =	shalt  }
0x62: {  	_ =	shalt  }
0x63: {  	_ =	shalt  }
0x64: {  	_ =	shalt  }
0x65: {  	_ =	shalt  }
0x66: {  	_ =	shalt  }
0x67: {  	_ =	shalt  }
0x68: {  	_ =	shalt  }
0x69: {  	_ =	shalt  }
0x6a: {  	_ =	shalt  }
0x6b: {  	_ =	shalt  }
0x6c: {  	_ =	shalt  }
0x6d: {  	_ =	shalt  }
0x6e: {  	_ =	shalt  }
0x6f: {  	_ =	shalt  }
0x70: {  	_ =	shalt  }
0x71: {  	_ =	shalt  }
0x72: {  	_ =	shalt  }
0x73: {  	_ =	shalt  }
0x74: {  	_ =	shalt  }
0x75: {  	_ =	shalt  }
0x76: {  	_ =	shalt  }
0x77: {  	_ =	shalt  }
0x78: {  	_ =	shalt  }
0x79: {  	_ =	shalt  }
0x7a: {  	_ =	shalt  }
0x7b: {  	_ =	shalt  }
0x7c: {  	_ =	shalt  }
0x7d: {  	_ =	shalt  }
0x7e: {  	_ =	shalt  }
0x7f: {  	_ =	shalt  }
0x80: {  	_ =	shalt  }
0x81: {  	_ =	shalt  }
0x82: {  	_ =	shalt  }
0x83: {  	_ =	shalt  }
0x84: {  	_ =	shalt  }
0x85: {  	_ =	shalt  }
0x86: {  	_ =	shalt  }
0x87: {  	_ =	shalt  }
.Lfunc_end0:
.L_simem_size_0:
called_computation_lowered:
.L_overlay_start_0:
0x88: {  	s2 =	sld [smem:$0x3FD9]  }
0x89: {  	s3 =	sld [smem:$0x3FFE];
	_ =	sdelay $0x1  }
0x8a: {  	s1 =	srdreg.scid  }
0x8b: {  	s0 =	sand.u32 $0x1, s1  }
0x8c: {  	s16 =	sshll.u32 s0, $0xA;
	s2 =	sadd.s32 s3, s2  }
0x8d: {  	s2 =	sadd.s32 s2, s16  }
0x8e: {  	[smem:$0x3FC6] =	sst s2  }
0x8f: {  	_ = 	snop  }
0x90: {  	(tm) =	ssettm $0x1  }
0x91: {  	s17 =	sld [smem:$0x3FFB];
	_ =	sdelay $0x3  }
0x92: {  	_ =	strace s17  }
0x93: {  	s2 =	sld [smem:$0x3FFC];
	_ =	sdelay $0x3  }
0x94: {  	_ =	strace s2  }
0x95: {  	s2 =	sld [smem:$0x3FFD];
	_ =	sdelay $0x3  }
0x96: {  	_ =	strace s2  }
0x97: {  	_ =	strace $0x8FFFFFFF  }
0x98: {  	s18 =	sld [smem:$0x3FDB];
	_ =	sdelay $0x1  }
0x99: {  	s19 =	simm.s32 $_scs_section_size  }
0x9a: {  	s4 =	simm.s32 $_size__tile_overlayer_lowered;
	s5 =	simm.s32 $_tile_overlayer_lowered  }
0x9b: {  	s22 =	simm.s32 $0x1BFF;
	s21 =	sshll.u32 s5, $0x1;
	s2 =	sadd.s32 s19, s18  }
0x9c: {  	s6 =	simm.s32 $0x0;
	s20 =	sshll.u32 s4, $0x1;
	s4 =	sadd.s32 s21, s2  }
0x9d: {  	[timem:s6], [sflag:s22] =	dma.local [hbm:s4], s20  }
0x9e: {  	_ =	swait.ge [sflag:s22], s20  }
0x9f: {  	s3 =	ssub.s32 $0x0, s20;
	[sflag:s22] =	ssyncset.done $0x0  }
0xa0: {  	[sflag:s22] =	ssyncadd.s32 s3;
	_ =	sdelay $0x1  }
0xa1: {  	s23 =	simm.s32 $0x1B8B  }
0xa2: {  	_ =	swait.ge [sflag:s23], $0x1  }
0xa3: {  	[sflag:s23] =	ssyncset.done $0x0  }
0xa4: {  	s25 =	simm.s32 $0x1B8E;
	s24 =	sld [smem:$0x3FFE];
	[sflag:s23] =	ssyncadd.s32 $0xFFFFFFFF  }
0xa5: {  	s26 =	simm.s32 $execute0_lowered;
	[smem:$0x3FD2] =	sst s25  }
0xa6: {  	s4 =	sshll.u32 s26, $0x1;
	_ =	strace $0x80000046;
	[dreg:$0x1] =	wrdreg $0xFFFFFFFF  }
0xa7: {  	s28 =	simm.s32 $_size_execute0_lowered;
	s2 =	sadd.s32 s2, s4;
	[dreg:$0x0] =	wrdreg $0x0  }
0xa8: {  	s4 =	sshll.u32 s28, $0x1;
	[dreg:$0x2] =	wrdreg s2  }
0xa9: {  	[dreg:$0x3] =	wrdreg s4  }
0xaa: {  	[dreg:$0x4] =	wrdreg $0xC0  }
0xab: {  	_ =	task [dreg:s6], $0x5FFFF  }
0xac: {  	[dreg:$0x1] =	wrdreg $0xFFFFFFFF  }
0xad: {  	[dreg:$0x0] =	wrdreg $0x60  }
0xae: {  	[dreg:$0x2] =	wrdreg s24  }
0xaf: {  	[dreg:$0x3] =	wrdreg $0x9  }
0xb0: {  	_ =	task.clear_ibuf [dreg:s6], $0x4FFFF;
	_ =	strace $0x90000046  }
0xb1: {  	s29 =	simm.s32 $0x9;
	_ =	strace $0x80000048  }
0xb2: {  	_ =	swait.ge [sflag:s29], $0x1  }
0xb3: {  	[sflag:s29] =	ssyncadd.s32 $0xFFFFFFFF  }
0xb4: {  	_ =	strace $0x90000048  }
0xb5: {  	_ =	sfence  }
0xb6: {  	s30 =	sld [smem:$0x0];
	_ =	sdelay $0x2  }
0xb7: {  	s31 =	sshll.u32 s1, $0xD;
	s1 =	sshrl.u32 s1, $0x2  }
0xb8: {  	s3 =	sand.u32 $0x4000, s31;
	s1 =	sadd.s32 s1, s30  }
0xb9: {  	s0 =	sor.u32 s3, s0;
	s1 =	sshll.u32 s1, $0x11  }
0xba: {  	s0 =	sor.u32 s1, s0  }
0xbb: {  	s0 =	sadd.s32 $0x8F2B, s0  }
0xbc: {  	[sflag:s0] =	ssyncadd.remote.s32 $0x1  }
0xbd: {  	_ =	sfence.sel $0xFFFF  }
0xbe: {  	[dreg:$0x0] =	wrdreg $0xFFFFFFFF;
	(pc) =	sbr.abs _section_cstart, $3  }
0xbf: {  	[dreg:$0x1] =	wrdreg $0xFFFFFFFF  }
0xc0: {  	_ =	task.clear_ibuf [dreg:s6], $0x2FFFF;
	_ =	strace $0x9FFFFFFF  }
0xc1: {  	(tm) =	ssettm $0x7FFFFFFF  }
tec
execute0_lowered:
.L_overlay_start_1:
0x0: {  	(tag) =	ssettag $0x1  }
0x1: {  	s1 =	srdreg.scid  }
0x2: {  	s0 =	stileid.u32;
	s3 =	rddreg [dreg:$0x0]  }
0x3: {  	s2 =	simm.s32 $0x0;
	s9 =	simm.s32 $0x2800;
	s10 =	simm.s32 $0x0  }
0x4: {  	s4 =	sand.u32 $0x1, s1;
	s5 =	sshll.u32 s0, $0x1;
	[smem:$0x7FF] =	sst s2  }
0x5: {  	s1 =	rddreg [dreg:$0x1];
	s5 =	sor.u32 s4, s5;
	_ =	strace $0x80000047  }
0x6: {  	s4 =	ssub.s32 $0x2, s4;
	s6 =	sshll.u32 s5, $0xA;
	s7 =	sshll.u32 s5, $0x8  }
0x7: {  	s5 =	sshll.u32 s5, $0x6;
	s31 =	sshrl.u32 s4, $0x1;
	s6 =	sadd.s32 s6, s3  }
0x8: {  	s7 =	sadd.s32 s7, s3;
	s5 =	sadd.s32 s5, s3;
	s8 =	ssub.s32 s4, s31  }
0x9: {  	s3 =	sadd.s32 $0xE00, s6;
	s4 =	sadd.s32 $0x8E00, s7;
	s5 =	sadd.s32 $0xAE00, s5  }
0xa: {  	v0 =	vimm.s32 $0x0;
	s6 =	smax.u32 s8, $0x1;
	s7 =	simm.s32 $0x1;
	s8 =	simm.s32 $0x2000  }
.LBB2_1:
0xb: {  	[tilespmem:s2], [sflag:$0x1] =	stream.linear.gather [hbm4b:s3+s2], $0x2000, $0x38;
	[tilespmem:$0x2A00] =	vst v63  }
0xc: {  	_ =	swait.ge [sflag:s7], $0x2000  }
0xd: {  	[sflag:s7] =	ssyncset.done $0x0  }
0xe: {  	[sflag:s7] =	ssyncadd.s32 $0xFFFFE000  }
0xf: {  	[tilespmem:s8], [sflag:$0x1] =	stream.linear.gather [hbm4b:s4+s2], $0x800, $0x38;
	[tilespmem:$0x2A00] =	vst v63  }
0x10: {  	_ =	swait.ge [sflag:s7], $0x800  }
0x11: {  	[sflag:s7] =	ssyncset.done $0x0  }
0x12: {  	[sflag:s7] =	ssyncadd.s32 $0xFFFFF800  }
0x13: {  	[tilespmem:$0x2800] =	vst v0  }
0x14: {  	[tilespmem:$0x2810] =	vst v0  }
0x15: {  	[tilespmem:$0x2820] =	vst v0  }
0x16: {  	[tilespmem:$0x2830] =	vst v0  }
0x17: {  	[tilespmem:$0x2840] =	vst v0  }
0x18: {  	[tilespmem:$0x2850] =	vst v0  }
0x19: {  	[tilespmem:$0x2860] =	vst v0  }
0x1a: {  	[tilespmem:$0x2870] =	vst v0  }
0x1b: {  	[tilespmem:$0x2880] =	vst v0  }
0x1c: {  	[tilespmem:$0x2890] =	vst v0  }
0x1d: {  	[tilespmem:$0x28A0] =	vst v0  }
0x1e: {  	[tilespmem:$0x28B0] =	vst v0  }
0x1f: {  	[tilespmem:$0x28C0] =	vst v0  }
0x20: {  	[tilespmem:$0x28D0] =	vst v0  }
0x21: {  	[tilespmem:$0x28E0] =	vst v0  }
0x22: {  	[tilespmem:$0x28F0] =	vst v0  }
0x23: {  	[tilespmem:$0x2900] =	vst v0  }
0x24: {  	[tilespmem:$0x2910] =	vst v0  }
0x25: {  	[tilespmem:$0x2920] =	vst v0  }
0x26: {  	[tilespmem:$0x2930] =	vst v0  }
0x27: {  	[tilespmem:$0x2940] =	vst v0  }
0x28: {  	v32 =	vimm.s32 $0x0;
	v31 =	vimm.s32 $0x0;
	[tilespmem:$0x2950] =	vst v0  }
0x29: {  	v30 =	vimm.s32 $0x0;
	v29 =	vimm.s32 $0x0;
	v28 =	vimm.s32 $0x0;
	[tilespmem:$0x2960] =	vst v0  }
0x2a: {  	v27 =	vimm.s32 $0x0;
	v26 =	vimm.s32 $0x0;
	v25 =	vimm.s32 $0x0;
	[tilespmem:$0x2970] =	vst v0  }
0x2b: {  	v24 =	vimm.s32 $0x0;
	v23 =	vimm.s32 $0x0;
	v22 =	vimm.s32 $0x0;
	[tilespmem:$0x2980] =	vst v0  }
0x2c: {  	v21 =	vimm.s32 $0x0;
	v20 =	vimm.s32 $0x0;
	v19 =	vimm.s32 $0x0;
	[tilespmem:$0x2990] =	vst v0  }
0x2d: {  	v18 =	vimm.s32 $0x0;
	v17 =	vimm.s32 $0x0;
	v16 =	vimm.s32 $0x0;
	[tilespmem:$0x29A0] =	vst v0  }
0x2e: {  	v15 =	vimm.s32 $0x0;
	v14 =	vimm.s32 $0x0;
	v13 =	vimm.s32 $0x0;
	[tilespmem:$0x29B0] =	vst v0  }
0x2f: {  	v12 =	vimm.s32 $0x0;
	v11 =	vimm.s32 $0x0;
	v10 =	vimm.s32 $0x0;
	[tilespmem:$0x29C0] =	vst v0  }
0x30: {  	v9 =	vimm.s32 $0x0;
	v8 =	vimm.s32 $0x0;
	v7 =	vimm.s32 $0x0;
	[tilespmem:$0x29D0] =	vst v0  }
0x31: {  	s13 =	simm.s32 $0x0;
	s14 =	sand.u32 $0x1000, s2;
	v6 =	vimm.s32 $0x0;
	v5 =	vimm.s32 $0x0;
	v4 =	vimm.s32 $0x0;
	[tilespmem:$0x29E0] =	vst v0  }
0x32: {  	s15 =	sand.u32 $0x380, s2;
	s11 =	simm.s32 $0x200;
	v3 =	vimm.s32 $0x0;
	v2 =	vimm.s32 $0x0;
	v1 =	vimm.s32 $0x0;
	s12 =	simm.s32 $0x0;
	[tilespmem:$0x29F0] =	vst v0  }
.LBB2_2:
0x33: {  	p0 =	sne.s32 s11, $0x1E00;
	v33 =	vld [tilespmem:s13+$0x2000];
	s13 =	sor.u32 s15, s14  }
0x34: {  	v34 =	vld [tilespmem:s13+$0x0];
	_ =	sdelay $0x4  }
0x35: {  	vm0 =	veq.f32 v34, v33  }
0x36: {  	v34 =	vsel vm0, $0x1, v0  }
0x37: {  	v32 =	vor.u32 v34, v32  }
0x38: {  	[tilespmem:$0x2800] =	vst v32  }
0x39: {  	v34 =	vld [tilespmem:s13+$0x10];
	_ =	sdelay $0x4  }
0x3a: {  	vm0 =	veq.f32 v34, v33  }
0x3b: {  	v34 =	vsel vm0, $0x1, v0  }
0x3c: {  	v31 =	vor.u32 v34, v31  }
0x3d: {  	[tilespmem:$0x2810] =	vst v31  }
0x3e: {  	v34 =	vld [tilespmem:s13+$0x20];
	_ =	sdelay $0x4  }
0x3f: {  	vm0 =	veq.f32 v34, v33  }
0x40: {  	v34 =	vsel vm0, $0x1, v0  }
0x41: {  	v30 =	vor.u32 v34, v30  }
0x42: {  	[tilespmem:$0x2820] =	vst v30  }
0x43: {  	v34 =	vld [tilespmem:s13+$0x30];
	_ =	sdelay $0x4  }
0x44: {  	vm0 =	veq.f32 v34, v33  }
0x45: {  	v34 =	vsel vm0, $0x1, v0  }
0x46: {  	v29 =	vor.u32 v34, v29  }
0x47: {  	[tilespmem:$0x2830] =	vst v29  }
0x48: {  	v34 =	vld [tilespmem:s13+$0x40];
	_ =	sdelay $0x4  }
0x49: {  	vm0 =	veq.f32 v34, v33  }
0x4a: {  	v34 =	vsel vm0, $0x1, v0  }
0x4b: {  	v28 =	vor.u32 v34, v28  }
0x4c: {  	[tilespmem:$0x2840] =	vst v28  }
0x4d: {  	v34 =	vld [tilespmem:s13+$0x50];
	_ =	sdelay $0x4  }
0x4e: {  	vm0 =	veq.f32 v34, v33  }
0x4f: {  	v34 =	vsel vm0, $0x1, v0  }
0x50: {  	v27 =	vor.u32 v34, v27  }
0x51: {  	[tilespmem:$0x2850] =	vst v27  }
0x52: {  	v34 =	vld [tilespmem:s13+$0x60];
	_ =	sdelay $0x4  }
0x53: {  	vm0 =	veq.f32 v34, v33  }
0x54: {  	v34 =	vsel vm0, $0x1, v0  }
0x55: {  	v26 =	vor.u32 v34, v26  }
0x56: {  	[tilespmem:$0x2860] =	vst v26  }
0x57: {  	v34 =	vld [tilespmem:s13+$0x70];
	_ =	sdelay $0x4  }
0x58: {  	vm0 =	veq.f32 v34, v33  }
0x59: {  	v34 =	vsel vm0, $0x1, v0  }
0x5a: {  	v25 =	vor.u32 v34, v25  }
0x5b: {  	[tilespmem:$0x2870] =	vst v25  }
0x5c: {  	v34 =	vld [tilespmem:s13+$0x400];
	_ =	sdelay $0x4  }
0x5d: {  	vm0 =	veq.f32 v34, v33  }
0x5e: {  	v34 =	vsel vm0, $0x1, v0  }
0x5f: {  	v24 =	vor.u32 v34, v24  }
0x60: {  	[tilespmem:$0x2880] =	vst v24  }
0x61: {  	v34 =	vld [tilespmem:s13+$0x410];
	_ =	sdelay $0x4  }
0x62: {  	vm0 =	veq.f32 v34, v33  }
0x63: {  	v34 =	vsel vm0, $0x1, v0  }
0x64: {  	v23 =	vor.u32 v34, v23  }
0x65: {  	[tilespmem:$0x2890] =	vst v23  }
0x66: {  	v34 =	vld [tilespmem:s13+$0x420];
	_ =	sdelay $0x4  }
0x67: {  	vm0 =	veq.f32 v34, v33  }
0x68: {  	v34 =	vsel vm0, $0x1, v0  }
0x69: {  	v22 =	vor.u32 v34, v22  }
0x6a: {  	[tilespmem:$0x28A0] =	vst v22  }
0x6b: {  	v34 =	vld [tilespmem:s13+$0x430];
	_ =	sdelay $0x4  }
0x6c: {  	vm0 =	veq.f32 v34, v33  }
0x6d: {  	v34 =	vsel vm0, $0x1, v0  }
0x6e: {  	v21 =	vor.u32 v34, v21  }
0x6f: {  	[tilespmem:$0x28B0] =	vst v21  }
0x70: {  	v34 =	vld [tilespmem:s13+$0x440];
	_ =	sdelay $0x4  }
0x71: {  	vm0 =	veq.f32 v34, v33  }
0x72: {  	v34 =	vsel vm0, $0x1, v0  }
0x73: {  	v20 =	vor.u32 v34, v20  }
0x74: {  	[tilespmem:$0x28C0] =	vst v20  }
0x75: {  	v34 =	vld [tilespmem:s13+$0x450];
	_ =	sdelay $0x4  }
0x76: {  	vm0 =	veq.f32 v34, v33  }
0x77: {  	v34 =	vsel vm0, $0x1, v0  }
0x78: {  	v19 =	vor.u32 v34, v19  }
0x79: {  	[tilespmem:$0x28D0] =	vst v19  }
0x7a: {  	v34 =	vld [tilespmem:s13+$0x460];
	_ =	sdelay $0x4  }
0x7b: {  	vm0 =	veq.f32 v34, v33  }
0x7c: {  	v34 =	vsel vm0, $0x1, v0  }
0x7d: {  	v18 =	vor.u32 v34, v18  }
0x7e: {  	[tilespmem:$0x28E0] =	vst v18  }
0x7f: {  	v34 =	vld [tilespmem:s13+$0x470];
	_ =	sdelay $0x4  }
0x80: {  	vm0 =	veq.f32 v34, v33  }
0x81: {  	v34 =	vsel vm0, $0x1, v0  }
0x82: {  	v17 =	vor.u32 v34, v17  }
0x83: {  	[tilespmem:$0x28F0] =	vst v17  }
0x84: {  	v34 =	vld [tilespmem:s13+$0x800];
	_ =	sdelay $0x4  }
0x85: {  	vm0 =	veq.f32 v34, v33  }
0x86: {  	v34 =	vsel vm0, $0x1, v0  }
0x87: {  	v16 =	vor.u32 v34, v16  }
0x88: {  	[tilespmem:$0x2900] =	vst v16  }
0x89: {  	v34 =	vld [tilespmem:s13+$0x810];
	_ =	sdelay $0x4  }
0x8a: {  	vm0 =	veq.f32 v34, v33  }
0x8b: {  	v34 =	vsel vm0, $0x1, v0  }
0x8c: {  	v15 =	vor.u32 v34, v15  }
0x8d: {  	[tilespmem:$0x2910] =	vst v15  }
0x8e: {  	v34 =	vld [tilespmem:s13+$0x820];
	_ =	sdelay $0x4  }
0x8f: {  	vm0 =	veq.f32 v34, v33  }
0x90: {  	v34 =	vsel vm0, $0x1, v0  }
0x91: {  	v14 =	vor.u32 v34, v14  }
0x92: {  	[tilespmem:$0x2920] =	vst v14  }
0x93: {  	v34 =	vld [tilespmem:s13+$0x830];
	_ =	sdelay $0x4  }
0x94: {  	vm0 =	veq.f32 v34, v33  }
0x95: {  	v34 =	vsel vm0, $0x1, v0  }
0x96: {  	v13 =	vor.u32 v34, v13  }
0x97: {  	[tilespmem:$0x2930] =	vst v13  }
0x98: {  	v34 =	vld [tilespmem:s13+$0x840];
	_ =	sdelay $0x4  }
0x99: {  	vm0 =	veq.f32 v34, v33  }
0x9a: {  	v34 =	vsel vm0, $0x1, v0  }
0x9b: {  	v12 =	vor.u32 v34, v12  }
0x9c: {  	[tilespmem:$0x2940] =	vst v12  }
0x9d: {  	v34 =	vld [tilespmem:s13+$0x850];
	_ =	sdelay $0x4  }
0x9e: {  	vm0 =	veq.f32 v34, v33  }
0x9f: {  	v34 =	vsel vm0, $0x1, v0  }
0xa0: {  	v11 =	vor.u32 v34, v11  }
0xa1: {  	[tilespmem:$0x2950] =	vst v11  }
0xa2: {  	v34 =	vld [tilespmem:s13+$0x860];
	_ =	sdelay $0x4  }
0xa3: {  	vm0 =	veq.f32 v34, v33  }
0xa4: {  	v34 =	vsel vm0, $0x1, v0  }
0xa5: {  	v10 =	vor.u32 v34, v10  }
0xa6: {  	[tilespmem:$0x2960] =	vst v10  }
0xa7: {  	v34 =	vld [tilespmem:s13+$0x870];
	_ =	sdelay $0x4  }
0xa8: {  	vm0 =	veq.f32 v34, v33  }
0xa9: {  	v34 =	vsel vm0, $0x1, v0  }
0xaa: {  	v9 =	vor.u32 v34, v9  }
0xab: {  	[tilespmem:$0x2970] =	vst v9  }
0xac: {  	v34 =	vld [tilespmem:s13+$0xC00];
	_ =	sdelay $0x4  }
0xad: {  	vm0 =	veq.f32 v34, v33  }
0xae: {  	v34 =	vsel vm0, $0x1, v0  }
0xaf: {  	v8 =	vor.u32 v34, v8  }
0xb0: {  	[tilespmem:$0x2980] =	vst v8  }
0xb1: {  	v34 =	vld [tilespmem:s13+$0xC10];
	_ =	sdelay $0x4  }
0xb2: {  	vm0 =	veq.f32 v34, v33  }
0xb3: {  	v34 =	vsel vm0, $0x1, v0  }
0xb4: {  	v7 =	vor.u32 v34, v7  }
0xb5: {  	[tilespmem:$0x2990] =	vst v7  }
0xb6: {  	v34 =	vld [tilespmem:s13+$0xC20];
	_ =	sdelay $0x4  }
0xb7: {  	vm0 =	veq.f32 v34, v33  }
0xb8: {  	v34 =	vsel vm0, $0x1, v0  }
0xb9: {  	v6 =	vor.u32 v34, v6  }
0xba: {  	[tilespmem:$0x29A0] =	vst v6  }
0xbb: {  	v34 =	vld [tilespmem:s13+$0xC30];
	_ =	sdelay $0x4  }
0xbc: {  	vm0 =	veq.f32 v34, v33  }
0xbd: {  	v34 =	vsel vm0, $0x1, v0  }
0xbe: {  	v5 =	vor.u32 v34, v5  }
0xbf: {  	[tilespmem:$0x29B0] =	vst v5  }
0xc0: {  	v34 =	vld [tilespmem:s13+$0xC40];
	_ =	sdelay $0x4  }
0xc1: {  	vm0 =	veq.f32 v34, v33  }
0xc2: {  	v34 =	vsel vm0, $0x1, v0  }
0xc3: {  	v4 =	vor.u32 v34, v4  }
0xc4: {  	[tilespmem:$0x29C0] =	vst v4  }
0xc5: {  	v34 =	vld [tilespmem:s13+$0xC50];
	_ =	sdelay $0x4  }
0xc6: {  	vm0 =	veq.f32 v34, v33  }
0xc7: {  	v34 =	vsel vm0, $0x1, v0  }
0xc8: {  	v3 =	vor.u32 v34, v3  }
0xc9: {  	[tilespmem:$0x29D0] =	vst v3  }
0xca: {  	v34 =	vld [tilespmem:s13+$0xC60];
	_ =	sdelay $0x4  }
0xcb: {  	vm0 =	veq.f32 v34, v33  }
0xcc: {  	v34 =	vsel vm0, $0x1, v0  }
0xcd: {  	v2 =	vor.u32 v34, v2  }
0xce: {  	[tilespmem:$0x29E0] =	vst v2  }
0xcf: {  	v34 =	vld [tilespmem:s13+$0xC70];
	_ =	sdelay $0x3  }
.Ltmp0:
0xd0: {  	(pc) =	sbr.rel @p0 .LBB2_2-.Ltmp0, $4  }
0xd1: {  	vm0 =	veq.f32 v34, v33  }
0xd2: {  	v33 =	vsel vm0, $0x1, v0  }
0xd3: {  	s12 =	sadd.s32 $0x80, s12;
	s13 =	sshra.s32 s11, $0x2;
	v1 =	vor.u32 v33, v1  }
0xd4: {  	s14 =	sand.u32 $0x1000, s11;
	s15 =	sand.u32 $0x380, s12;
	s11 =	sadd.s32 $0x200, s11;
	[tilespmem:$0x29F0] =	vst v1  }
0xd5: {  	v33 =	vld [tilespmem:s13+$0x2000];
	s11 =	sor.u32 s15, s14  }
0xd6: {  	v34 =	vld [tilespmem:s11+$0x0];
	_ =	sdelay $0x4  }
0xd7: {  	vm0 =	veq.f32 v34, v33  }
0xd8: {  	v34 =	vsel vm0, $0x1, v0  }
0xd9: {  	v32 =	vor.u32 v34, v32  }
0xda: {  	[tilespmem:$0x2800] =	vst v32  }
0xdb: {  	v32 =	vld [tilespmem:s11+$0x10];
	_ =	sdelay $0x4  }
0xdc: {  	vm9 =	veq.f32 v32, v33  }
0xdd: {  	v32 =	vsel vm9, $0x1, v0  }
0xde: {  	v31 =	vor.u32 v32, v31  }
0xdf: {  	[tilespmem:$0x2810] =	vst v31  }
0xe0: {  	v31 =	vld [tilespmem:s11+$0x20];
	_ =	sdelay $0x4  }
0xe1: {  	vm10 =	veq.f32 v31, v33  }
0xe2: {  	v31 =	vsel vm10, $0x1, v0  }
0xe3: {  	v30 =	vor.u32 v31, v30  }
0xe4: {  	[tilespmem:$0x2820] =	vst v30  }
0xe5: {  	v30 =	vld [tilespmem:s11+$0x30];
	_ =	sdelay $0x4  }
0xe6: {  	vm11 =	veq.f32 v30, v33  }
0xe7: {  	v30 =	vsel vm11, $0x1, v0  }
0xe8: {  	v29 =	vor.u32 v30, v29  }
0xe9: {  	[tilespmem:$0x2830] =	vst v29  }
0xea: {  	v29 =	vld [tilespmem:s11+$0x40];
	_ =	sdelay $0x4  }
0xeb: {  	vm12 =	veq.f32 v29, v33  }
0xec: {  	v29 =	vsel vm12, $0x1, v0  }
0xed: {  	v28 =	vor.u32 v29, v28  }
0xee: {  	[tilespmem:$0x2840] =	vst v28  }
0xef: {  	v28 =	vld [tilespmem:s11+$0x50];
	_ =	sdelay $0x4  }
0xf0: {  	vm13 =	veq.f32 v28, v33  }
0xf1: {  	v28 =	vsel vm13, $0x1, v0  }
0xf2: {  	v27 =	vor.u32 v28, v27  }
0xf3: {  	[tilespmem:$0x2850] =	vst v27  }
0xf4: {  	v27 =	vld [tilespmem:s11+$0x60];
	_ =	sdelay $0x4  }
0xf5: {  	vm14 =	veq.f32 v27, v33  }
0xf6: {  	v27 =	vsel vm14, $0x1, v0  }
0xf7: {  	v26 =	vor.u32 v27, v26  }
0xf8: {  	[tilespmem:$0x2860] =	vst v26  }
0xf9: {  	v26 =	vld [tilespmem:s11+$0x70];
	_ =	sdelay $0x4  }
0xfa: {  	vm15 =	veq.f32 v26, v33  }
0xfb: {  	v26 =	vsel vm15, $0x1, v0  }
0xfc: {  	v25 =	vor.u32 v26, v25  }
0xfd: {  	[tilespmem:$0x2870] =	vst v25  }
0xfe: {  	v25 =	vld [tilespmem:s11+$0x400];
	_ =	sdelay $0x4  }
0xff: {  	vm4 =	veq.f32 v25, v33  }
0x100: {  	v25 =	vsel vm4, $0x1, v0  }
0x101: {  	v24 =	vor.u32 v25, v24  }
0x102: {  	[tilespmem:$0x2880] =	vst v24  }
0x103: {  	v24 =	vld [tilespmem:s11+$0x410];
	_ =	sdelay $0x4  }
0x104: {  	vm5 =	veq.f32 v24, v33  }
0x105: {  	v24 =	vsel vm5, $0x1, v0  }
0x106: {  	v23 =	vor.u32 v24, v23  }
0x107: {  	[tilespmem:$0x2890] =	vst v23  }
0x108: {  	v23 =	vld [tilespmem:s11+$0x420];
	_ =	sdelay $0x4  }
0x109: {  	vm6 =	veq.f32 v23, v33  }
0x10a: {  	v23 =	vsel vm6, $0x1, v0  }
0x10b: {  	v22 =	vor.u32 v23, v22  }
0x10c: {  	[tilespmem:$0x28A0] =	vst v22  }
0x10d: {  	v22 =	vld [tilespmem:s11+$0x430];
	_ =	sdelay $0x4  }
0x10e: {  	vm7 =	veq.f32 v22, v33  }
0x10f: {  	v22 =	vsel vm7, $0x1, v0  }
0x110: {  	v21 =	vor.u32 v22, v21  }
0x111: {  	[tilespmem:$0x28B0] =	vst v21  }
0x112: {  	v21 =	vld [tilespmem:s11+$0x440];
	_ =	sdelay $0x4  }
0x113: {  	vm8 =	veq.f32 v21, v33  }
0x114: {  	v21 =	vsel vm8, $0x1, v0  }
0x115: {  	v20 =	vor.u32 v21, v20  }
0x116: {  	[tilespmem:$0x28C0] =	vst v20  }
0x117: {  	v20 =	vld [tilespmem:s11+$0x450];
	_ =	sdelay $0x4  }
0x118: {  	vm9 =	veq.f32 v20, v33  }
0x119: {  	v20 =	vsel vm9, $0x1, v0  }
0x11a: {  	v19 =	vor.u32 v20, v19  }
0x11b: {  	[tilespmem:$0x28D0] =	vst v19  }
0x11c: {  	v19 =	vld [tilespmem:s11+$0x460];
	_ =	sdelay $0x4  }
0x11d: {  	vm10 =	veq.f32 v19, v33  }
0x11e: {  	v19 =	vsel vm10, $0x1, v0  }
0x11f: {  	v18 =	vor.u32 v19, v18  }
0x120: {  	[tilespmem:$0x28E0] =	vst v18  }
0x121: {  	v18 =	vld [tilespmem:s11+$0x470];
	_ =	sdelay $0x4  }
0x122: {  	vm11 =	veq.f32 v18, v33  }
0x123: {  	v18 =	vsel vm11, $0x1, v0  }
0x124: {  	v17 =	vor.u32 v18, v17  }
0x125: {  	[tilespmem:$0x28F0] =	vst v17  }
0x126: {  	v17 =	vld [tilespmem:s11+$0x800];
	_ =	sdelay $0x4  }
0x127: {  	vm12 =	veq.f32 v17, v33  }
0x128: {  	v17 =	vsel vm12, $0x1, v0  }
0x129: {  	v16 =	vor.u32 v17, v16  }
0x12a: {  	[tilespmem:$0x2900] =	vst v16  }
0x12b: {  	v16 =	vld [tilespmem:s11+$0x810];
	_ =	sdelay $0x4  }
0x12c: {  	vm13 =	veq.f32 v16, v33  }
0x12d: {  	v16 =	vsel vm13, $0x1, v0  }
0x12e: {  	v15 =	vor.u32 v16, v15  }
0x12f: {  	[tilespmem:$0x2910] =	vst v15  }
0x130: {  	v15 =	vld [tilespmem:s11+$0x820];
	_ =	sdelay $0x4  }
0x131: {  	vm14 =	veq.f32 v15, v33  }
0x132: {  	v15 =	vsel vm14, $0x1, v0  }
0x133: {  	v14 =	vor.u32 v15, v14  }
0x134: {  	[tilespmem:$0x2920] =	vst v14  }
0x135: {  	v14 =	vld [tilespmem:s11+$0x830];
	_ =	sdelay $0x4  }
0x136: {  	vm15 =	veq.f32 v14, v33  }
0x137: {  	v14 =	vsel vm15, $0x1, v0  }
0x138: {  	v13 =	vor.u32 v14, v13  }
0x139: {  	[tilespmem:$0x2930] =	vst v13  }
0x13a: {  	v13 =	vld [tilespmem:s11+$0x840];
	_ =	sdelay $0x4  }
0x13b: {  	vm4 =	veq.f32 v13, v33  }
0x13c: {  	v13 =	vsel vm4, $0x1, v0  }
0x13d: {  	v12 =	vor.u32 v13, v12  }
0x13e: {  	[tilespmem:$0x2940] =	vst v12  }
0x13f: {  	v12 =	vld [tilespmem:s11+$0x850];
	_ =	sdelay $0x4  }
0x140: {  	vm5 =	veq.f32 v12, v33  }
0x141: {  	v12 =	vsel vm5, $0x1, v0  }
0x142: {  	v11 =	vor.u32 v12, v11  }
0x143: {  	[tilespmem:$0x2950] =	vst v11  }
0x144: {  	v11 =	vld [tilespmem:s11+$0x860];
	_ =	sdelay $0x4  }
0x145: {  	vm6 =	veq.f32 v11, v33  }
0x146: {  	v11 =	vsel vm6, $0x1, v0  }
0x147: {  	v10 =	vor.u32 v11, v10  }
0x148: {  	[tilespmem:$0x2960] =	vst v10  }
0x149: {  	v10 =	vld [tilespmem:s11+$0x870];
	_ =	sdelay $0x4  }
0x14a: {  	vm7 =	veq.f32 v10, v33  }
0x14b: {  	v10 =	vsel vm7, $0x1, v0  }
0x14c: {  	v9 =	vor.u32 v10, v9  }
0x14d: {  	[tilespmem:$0x2970] =	vst v9  }
0x14e: {  	v9 =	vld [tilespmem:s11+$0xC00];
	_ =	sdelay $0x4  }
0x14f: {  	vm8 =	veq.f32 v9, v33  }
0x150: {  	v9 =	vsel vm8, $0x1, v0  }
0x151: {  	v8 =	vor.u32 v9, v8  }
0x152: {  	[tilespmem:$0x2980] =	vst v8  }
0x153: {  	v8 =	vld [tilespmem:s11+$0xC10];
	_ =	sdelay $0x4  }
0x154: {  	vm9 =	veq.f32 v8, v33  }
0x155: {  	v8 =	vsel vm9, $0x1, v0  }
0x156: {  	v7 =	vor.u32 v8, v7  }
0x157: {  	[tilespmem:$0x2990] =	vst v7  }
0x158: {  	v7 =	vld [tilespmem:s11+$0xC20];
	_ =	sdelay $0x4  }
0x159: {  	vm10 =	veq.f32 v7, v33  }
0x15a: {  	v7 =	vsel vm10, $0x1, v0  }
0x15b: {  	v6 =	vor.u32 v7, v6  }
0x15c: {  	[tilespmem:$0x29A0] =	vst v6  }
0x15d: {  	v6 =	vld [tilespmem:s11+$0xC30];
	_ =	sdelay $0x4  }
0x15e: {  	vm11 =	veq.f32 v6, v33  }
0x15f: {  	v6 =	vsel vm11, $0x1, v0  }
0x160: {  	v5 =	vor.u32 v6, v5  }
0x161: {  	[tilespmem:$0x29B0] =	vst v5  }
0x162: {  	v5 =	vld [tilespmem:s11+$0xC40];
	_ =	sdelay $0x4  }
0x163: {  	vm12 =	veq.f32 v5, v33  }
0x164: {  	v5 =	vsel vm12, $0x1, v0  }
0x165: {  	v4 =	vor.u32 v5, v4  }
0x166: {  	[tilespmem:$0x29C0] =	vst v4  }
0x167: {  	v4 =	vld [tilespmem:s11+$0xC50];
	_ =	sdelay $0x4  }
0x168: {  	vm13 =	veq.f32 v4, v33  }
0x169: {  	v4 =	vsel vm13, $0x1, v0  }
0x16a: {  	v3 =	vor.u32 v4, v3  }
0x16b: {  	[tilespmem:$0x29D0] =	vst v3  }
0x16c: {  	v3 =	vld [tilespmem:s11+$0xC60];
	_ =	sdelay $0x4  }
0x16d: {  	vm14 =	veq.f32 v3, v33  }
0x16e: {  	v3 =	vsel vm14, $0x1, v0  }
0x16f: {  	v2 =	vor.u32 v3, v2  }
0x170: {  	[tilespmem:$0x29E0] =	vst v2  }
0x171: {  	v2 =	vld [tilespmem:s11+$0xC70];
	_ =	sdelay $0x4  }
0x172: {  	vm15 =	veq.f32 v2, v33  }
0x173: {  	s10 =	sadd.s32 $0x1, s10;
	v2 =	vsel vm15, $0x1, v0  }
0x174: {  	p0 =	sne.s32 s10, s6;
	v1 =	vor.u32 v2, v1  }
.Ltmp1:
0x175: {  	[tilespmem:$0x29F0] =	vst v1;
	(pc) =	sbr.rel @p0 .LBB2_1-.Ltmp1, $4  }
0x176: {  	[hbm4b:s5+s2] =	stream.linear.scatter [tilespmem:s9], [sflag:$0x1], $0x200, $0x38;
	[tilespmem:$0x2A00] =	vst v63  }
0x177: {  	_ =	swait.ge [sflag:s7], $0x200  }
0x178: {  	[sflag:s7] =	ssyncset.done $0x0  }
0x179: {  	[sflag:s7] =	ssyncadd.s32 $0xFFFFFE00  }
0x17a: {  	_ =	sfence.sel $0x180000  }
0x17b: {  	[bflag:$0x0] =	sbarrier.arrive $0xFFFF  }
0x17c: {  	p0 =	sne.s32 s0, $0x0;
	_ =	strace $0x90000047  }
0x17d: {  	s0 =	sadd.s32 @!p0 $0x100000, s1;
	[bflag:$0x2] =	sbarrier.arrive $0xFFFF  }
0x17e: {  	[sflag:s0] =	ssyncadd.tile.s32 @!p0 $0x1;
	_ =	shalt  }
.Lfunc_end2:
_tile_overlayer_lowered:
.L_overlay_start_2:
0x17f: {  	(tag) =	ssettag $0x2  }
0x180: {  	s0 =	rddreg [dreg:$0x0];
	s2 =	stileid.u32  }
0x181: {  	s1 =	rddreg [dreg:$0x1];
	p0 =	sne.s32 s2, $0x0  }
0x182: {  	s3 =	rddreg [dreg:$0x2];
	[bflag:$0x3] =	sbarrier.arrive $0xFFFF;
	s2 =	simm.s32 @!p0 $0x1C01  }
0x183: {  	[timem:s3], [sflag:s2] =	dma.local @!p0 [hbm:s0], s1  }
0x184: {  	s0 =	simm.s32 @!p0 $0x1  }
0x185: {  	_ =	swait.ge @!p0 [sflag:s0], s1  }
0x186: {  	s1 =	ssub.s32 @!p0 $0x0, s1;
	[sflag:s0] =	ssyncset.done @!p0 $0x0  }
0x187: {  	[sflag:s0] =	ssyncadd.s32 @!p0 s1  }
0x188: {  	[bflag:$0x3] =	sbarrier.arrive $0xFFFF  }
0x189: {  	_ =	shalt  }

</sc_bundles>
